<compile_context>
chip_gen: v7x
topology: tpu7x:2x2x1
jax: 0.10.2.dev20260603
libtpu: 0.0.44.dev20260713+nightly
codegen_flags: <defaults>
</compile_context>

<pallas_src>
import functools

import jax
import jax.numpy as jnp
from jax import lax
from jax.experimental import pallas as pl
from jax.experimental.pallas import tpu as pltpu
from jax.experimental.pallas import tpu_sc as plsc

N = 64 * 128 * 128
NC, NS, L = 2, 16, 16
NW = NC * NS
K_SC = N // 4
PER_W = K_SC // NW
CHUNK = 4096
NCHUNK = PER_W // CHUNK
UNROLL = 4

ROW = 128
ROWS_B = 1024
K_BLK = K_SC // (ROW * ROWS_B)
G_TC = (N - K_SC) // (ROW * ROWS_B)

_mesh = plsc.VectorSubcoreMesh(core_axis_name="c", subcore_axis_name="s")


@functools.partial(
    pl.kernel,
    out_type=[
        jax.ShapeDtypeStruct((8, 128), jnp.float32),
        jax.ShapeDtypeStruct((8, 128), jnp.float32),
    ],
    mesh=_mesh,
    scratch_types=[
        pltpu.VMEM((2, CHUNK), jnp.float32),
        pltpu.VMEM((2, CHUNK), jnp.float32),
        pltpu.VMEM((2, CHUNK), jnp.float32),
        pltpu.VMEM((L,), jnp.float32),
        pltpu.VMEM((L,), jnp.float32),
        pltpu.SemaphoreType.DMA,
        pltpu.SemaphoreType.DMA,
    ],
)
def _sc_partials(t_hbm, p_hbm, m_hbm, sums_hbm, cnts_hbm,
                 t_v, p_v, m_v, acc_v, cnt_v, sem0, sem1):
    wid = lax.axis_index("s") * NC + lax.axis_index("c")
    base = wid * PER_W
    sems = (sem0, sem1)

    def start(c, buf):
        off = base + c * CHUNK
        return [
            pltpu.async_copy(t_hbm.at[pl.ds(off, CHUNK)], t_v.at[buf], sems[buf]),
            pltpu.async_copy(p_hbm.at[pl.ds(off, CHUNK)], p_v.at[buf], sems[buf]),
            pltpu.async_copy(m_hbm.at[pl.ds(off, CHUNK)], m_v.at[buf], sems[buf]),
        ]

    zero = jnp.zeros((L,), jnp.float32)
    accs = (zero, zero, zero, zero)
    cps = start(0, 0)
    for c in range(NCHUNK):
        buf = c % 2
        nxt = start(c + 1, 1 - buf) if c + 1 < NCHUNK else None
        for cp in cps:
            cp.wait()

        def body(i, carry, buf=buf):
            a0, n0, a1, n1 = carry

            def one(off):
                tv = t_v[buf, pl.ds(i + off, L)]
                pv = p_v[buf, pl.ds(i + off, L)]
                mv = m_v[buf, pl.ds(i + off, L)]
                tm = tv * mv
                valid = tm > 0.0
                q = jnp.abs(tm - pv) / tm
                return jnp.where(valid, q, 0.0), jnp.where(valid, 1.0, 0.0)

            q0, v0 = one(0)
            q1, v1 = one(L)
            return a0 + q0, n0 + v0, a1 + q1, n1 + v1

        accs = plsc.parallel_loop(0, CHUNK, 2 * L, unroll=UNROLL,
                                  carry=accs)(body)
        cps = nxt

    acc_v[...] = accs[0] + accs[2]
    cnt_v[...] = accs[1] + accs[3]
    row = wid // 8
    col = (wid % 8) * L
    pltpu.sync_copy(acc_v, sums_hbm.at[row, pl.ds(col, L)])
    pltpu.sync_copy(cnt_v, cnts_hbm.at[row, pl.ds(col, L)])


def _tc_body(t_ref, p_ref, m_ref, s_ref, n_ref, sa_ref, na_ref):
    i = pl.program_id(0)

    @pl.when(i == 0)
    def _():
        sa_ref[...] = jnp.zeros((8, ROW), jnp.float32)
        na_ref[...] = jnp.zeros((8, ROW), jnp.float32)

    tm = t_ref[...] * m_ref[...]
    valid = tm > 0.0
    q = jnp.abs(tm - p_ref[...]) / tm
    rel = jnp.where(valid, q, 0.0).reshape(ROWS_B // 8, 8, ROW)
    vld = jnp.where(valid, 1.0, 0.0).reshape(ROWS_B // 8, 8, ROW)
    sa_ref[...] += jnp.sum(rel, axis=0)
    na_ref[...] += jnp.sum(vld, axis=0)

    @pl.when(i == G_TC - 1)
    def _():
        s_ref[...] = sa_ref[...]
        n_ref[...] = na_ref[...]


_tc_partials = pl.pallas_call(
    _tc_body,
    grid=(G_TC,),
    in_specs=[
        pl.BlockSpec((ROWS_B, ROW), lambda i: (K_BLK + i, 0)),
        pl.BlockSpec((ROWS_B, ROW), lambda i: (K_BLK + i, 0)),
        pl.BlockSpec((ROWS_B, ROW), lambda i: (K_BLK + i, 0)),
    ],
    out_shape=[
        jax.ShapeDtypeStruct((8, ROW), jnp.float32),
        jax.ShapeDtypeStruct((8, ROW), jnp.float32),
    ],
    out_specs=[
        pl.BlockSpec((8, ROW), lambda i: (0, 0)),
        pl.BlockSpec((8, ROW), lambda i: (0, 0)),
    ],
    scratch_shapes=[
        pltpu.VMEM((8, ROW), jnp.float32),
        pltpu.VMEM((8, ROW), jnp.float32),
    ],
)


def _finish_body(ss_ref, sn_ref, ts_ref, tn_ref, o_ref):
    s = jnp.sum(ss_ref[...]) + jnp.sum(ts_ref[...])
    n = jnp.sum(sn_ref[...]) + jnp.sum(tn_ref[...])
    o_ref[0, 0] = s / jnp.maximum(n, 1.0)


_finish = pl.pallas_call(
    _finish_body,
    out_shape=jax.ShapeDtypeStruct((1, 1), jnp.float32),
    out_specs=pl.BlockSpec(memory_space=pltpu.SMEM),
)


def kernel(target, pred, mask):
    t = target.reshape(N)
    p = pred.reshape(N)
    m = mask.reshape(N)
    t2 = target.reshape(N // ROW, ROW)
    p2 = pred.reshape(N // ROW, ROW)
    m2 = mask.reshape(N // ROW, ROW)
    sc_sums, sc_cnts = _sc_partials(t, p, m)
    tc_s, tc_n = _tc_partials(t2, p2, m2)
    return _finish(sc_sums, sc_cnts, tc_s, tc_n).reshape(())

# --- scband reference (transcript-rebuilt; emitter-appended) ---
"""Pipeline reference for scband-sparse-loss-74775380623521 (READ-ONLY COPY).

The authoritative reference and input builder live on the scoring server;
editing this copy changes nothing except your own understanding.
"""

import jax, jax.numpy as jnp
import numpy as np

def setup_inputs(seed: int = 0) -> dict:
    key = jax.random.key(seed)
    k1, k2, k3 = jax.random.split(key, 3)
    target = jax.random.uniform(k1, (64, 1, 128, 128), dtype=jnp.float32)
    pred = jax.random.normal(k2, (64, 1, 128, 128), dtype=jnp.float32)
    mask = jax.random.randint(k3, (64, 1, 128, 128), 0, 2).astype(jnp.float32)
    return {"target": target, "pred": pred, "mask": mask}

def reference(target, pred, mask):
    # target = target * mask; pred = pred * mask
    t = target * mask
    p = pred * mask
    # valid = target > 0; boolean-masked mean of |t - p| / t
    valid = t > 0
    safe_t = jnp.where(valid, t, 1.0)
    rel = jnp.where(valid, jnp.abs(t - p) / safe_t, 0.0)
    n_valid = jnp.maximum(jnp.sum(valid).astype(jnp.float32), 1.0)
    loss = jnp.sum(rel) / n_valid
    return loss

if __name__ == "__main__":
    import jax
    _d = setup_inputs()
    print(jax.jit(kernel)(*tuple(_d.values())))

</pallas_src>

<mosaic_0001>
#map = affine_map<(d0, d1) -> (0)>
#map1 = affine_map<(d0, d1) -> (0, 0)>
module attributes {stable_mosaic.version = 14 : i64} {
  func.func @_sc_partials(%arg0: i32, %arg1: i32, %arg2: memref<1048576xf32, #tpu.memory_space<hbm>>, %arg3: memref<1048576xf32, #tpu.memory_space<hbm>>, %arg4: memref<1048576xf32, #tpu.memory_space<hbm>>, %arg5: memref<8x128xf32, #tpu.memory_space<hbm>>, %arg6: memref<8x128xf32, #tpu.memory_space<hbm>>, %arg7: memref<2x4096xf32, #tpu.memory_space<vmem>>, %arg8: memref<2x4096xf32, #tpu.memory_space<vmem>>, %arg9: memref<2x4096xf32, #tpu.memory_space<vmem>>, %arg10: memref<16xf32, #tpu.memory_space<vmem>>, %arg11: memref<16xf32, #tpu.memory_space<vmem>>, %arg12: memref<!tpu.dma_semaphore, #tpu.memory_space<semaphore_mem>>, %arg13: memref<!tpu.dma_semaphore, #tpu.memory_space<semaphore_mem>>) attributes {dimension_semantics = [#tpu.dimension_semantics<core_parallel>, #tpu.dimension_semantics<subcore_parallel>], iteration_bounds = array<i64: 2, 16>, scalar_prefetch = 0 : i64, scratch_operands = 7 : i64, tpu.core_type = #tpu.core_type<sc_vector_subcore>, window_params = [{transform_indices = #map}, {transform_indices = #map}, {transform_indices = #map}, {transform_indices = #map1}, {transform_indices = #map1}]} {
    %mul3A = arith.constant 2 : i32
    %mul3A_0 = arith.muli %arg1, %mul3A : i32
    %add3A = arith.addi %mul3A_0, %arg0 : i32
    %mul3A_1 = arith.constant 8192 : i32
    %mul3A_2 = arith.muli %add3A, %mul3A_1 : i32
    %broadcast_in_dim3A = arith.constant 0.000000e+00 : f32
    %broadcast_in_dim3A_3 = vector.broadcast %broadcast_in_dim3A : f32 to vector<16xf32>
    %add3A_4 = arith.constant 0 : i32
    %add3A_5 = arith.addi %mul3A_2, %add3A_4 : i32
    %dma_start3A = arith.constant 0 : i32
    %dma_start3A_6 = arith.constant 0 : i32
    %dma_start3A_7 = tpu.memref_slice %arg7[%dma_start3A, %dma_start3A_6] : memref<2x4096xf32, #tpu.memory_space<vmem>> -> memref<1x4096xf32, #tpu.memory_space<vmem>>
    %dma_start3A_8 = tpu.memref_squeeze %dma_start3A_7 : memref<1x4096xf32, #tpu.memory_space<vmem>> -> memref<4096xf32, #tpu.memory_space<vmem>>
    %dma_start3A_9 = tpu.memref_slice %arg2[%add3A_5] : memref<1048576xf32, #tpu.memory_space<hbm>> -> memref<4096xf32, #tpu.memory_space<hbm>>
    %dma_start3A_10 = arith.constant 0 : i32
    %dma_start3A_11 = tpu.memref_slice %arg7[%dma_start3A, %dma_start3A_10] : memref<2x4096xf32, #tpu.memory_space<vmem>> -> memref<1x4096xf32, #tpu.memory_space<vmem>>
    %dma_start3A_12 = tpu.memref_squeeze %dma_start3A_11 : memref<1x4096xf32, #tpu.memory_space<vmem>> -> memref<4096xf32, #tpu.memory_space<vmem>>
    %dma_start3A_13 = tpu.memref_slice %arg2[%add3A_5] : memref<1048576xf32, #tpu.memory_space<hbm>> -> memref<4096xf32, #tpu.memory_space<hbm>>
    tpu.enqueue_dma source(%dma_start3A_13 : memref<4096xf32, #tpu.memory_space<hbm>>) target(%dma_start3A_12 : memref<4096xf32, #tpu.memory_space<vmem>>) target_semaphore(%arg12 : memref<!tpu.dma_semaphore, #tpu.memory_space<semaphore_mem>>)
    %dma_start3A_14 = arith.constant 0 : i32
    %dma_start3A_15 = arith.constant 0 : i32
    %dma_start3A_16 = tpu.memref_slice %arg8[%dma_start3A_14, %dma_start3A_15] : memref<2x4096xf32, #tpu.memory_space<vmem>> -> memref<1x4096xf32, #tpu.memory_space<vmem>>
    %dma_start3A_17 = tpu.memref_squeeze %dma_start3A_16 : memref<1x4096xf32, #tpu.memory_space<vmem>> -> memref<4096xf32, #tpu.memory_space<vmem>>
    %dma_start3A_18 = tpu.memref_slice %arg3[%add3A_5] : memref<1048576xf32, #tpu.memory_space<hbm>> -> memref<4096xf32, #tpu.memory_space<hbm>>
    %dma_start3A_19 = arith.constant 0 : i32
    %dma_start3A_20 = tpu.memref_slice %arg8[%dma_start3A_14, %dma_start3A_19] : memref<2x4096xf32, #tpu.memory_space<vmem>> -> memref<1x4096xf32, #tpu.memory_space<vmem>>
    %dma_start3A_21 = tpu.memref_squeeze %dma_start3A_20 : memref<1x4096xf32, #tpu.memory_space<vmem>> -> memref<4096xf32, #tpu.memory_space<vmem>>
    %dma_start3A_22 = tpu.memref_slice %arg3[%add3A_5] : memref<1048576xf32, #tpu.memory_space<hbm>> -> memref<4096xf32, #tpu.memory_space<hbm>>
    tpu.enqueue_dma source(%dma_start3A_22 : memref<4096xf32, #tpu.memory_space<hbm>>) target(%dma_start3A_21 : memref<4096xf32, #tpu.memory_space<vmem>>) target_semaphore(%arg12 : memref<!tpu.dma_semaphore, #tpu.memory_space<semaphore_mem>>)
    %dma_start3A_23 = arith.constant 0 : i32
    %dma_start3A_24 = arith.constant 0 : i32
    %dma_start3A_25 = tpu.memref_slice %arg9[%dma_start3A_23, %dma_start3A_24] : memref<2x4096xf32, #tpu.memory_space<vmem>> -> memref<1x4096xf32, #tpu.memory_space<vmem>>
    %dma_start3A_26 = tpu.memref_squeeze %dma_start3A_25 : memref<1x4096xf32, #tpu.memory_space<vmem>> -> memref<4096xf32, #tpu.memory_space<vmem>>
    %dma_start3A_27 = tpu.memref_slice %arg4[%add3A_5] : memref<1048576xf32, #tpu.memory_space<hbm>> -> memref<4096xf32, #tpu.memory_space<hbm>>
    %dma_start3A_28 = arith.constant 0 : i32
    %dma_start3A_29 = tpu.memref_slice %arg9[%dma_start3A_23, %dma_start3A_28] : memref<2x4096xf32, #tpu.memory_space<vmem>> -> memref<1x4096xf32, #tpu.memory_space<vmem>>
    %dma_start3A_30 = tpu.memref_squeeze %dma_start3A_29 : memref<1x4096xf32, #tpu.memory_space<vmem>> -> memref<4096xf32, #tpu.memory_space<vmem>>
    %dma_start3A_31 = tpu.memref_slice %arg4[%add3A_5] : memref<1048576xf32, #tpu.memory_space<hbm>> -> memref<4096xf32, #tpu.memory_space<hbm>>
    tpu.enqueue_dma source(%dma_start3A_31 : memref<4096xf32, #tpu.memory_space<hbm>>) target(%dma_start3A_30 : memref<4096xf32, #tpu.memory_space<vmem>>) target_semaphore(%arg12 : memref<!tpu.dma_semaphore, #tpu.memory_space<semaphore_mem>>)
    %add3A_32 = arith.constant 4096 : i32
    %add3A_33 = arith.addi %mul3A_2, %add3A_32 : i32
    %dma_start3A_34 = arith.constant 1 : i32
    %dma_start3A_35 = arith.constant 0 : i32
    %dma_start3A_36 = tpu.memref_slice %arg7[%dma_start3A_34, %dma_start3A_35] : memref<2x4096xf32, #tpu.memory_space<vmem>> -> memref<1x4096xf32, #tpu.memory_space<vmem>>
    %dma_start3A_37 = tpu.memref_squeeze %dma_start3A_36 : memref<1x4096xf32, #tpu.memory_space<vmem>> -> memref<4096xf32, #tpu.memory_space<vmem>>
    %dma_start3A_38 = tpu.memref_slice %arg2[%add3A_33] : memref<1048576xf32, #tpu.memory_space<hbm>> -> memref<4096xf32, #tpu.memory_space<hbm>>
    %dma_start3A_39 = arith.constant 0 : i32
    %dma_start3A_40 = tpu.memref_slice %arg7[%dma_start3A_34, %dma_start3A_39] : memref<2x4096xf32, #tpu.memory_space<vmem>> -> memref<1x4096xf32, #tpu.memory_space<vmem>>
    %dma_start3A_41 = tpu.memref_squeeze %dma_start3A_40 : memref<1x4096xf32, #tpu.memory_space<vmem>> -> memref<4096xf32, #tpu.memory_space<vmem>>
    %dma_start3A_42 = tpu.memref_slice %arg2[%add3A_33] : memref<1048576xf32, #tpu.memory_space<hbm>> -> memref<4096xf32, #tpu.memory_space<hbm>>
    tpu.enqueue_dma source(%dma_start3A_42 : memref<4096xf32, #tpu.memory_space<hbm>>) target(%dma_start3A_41 : memref<4096xf32, #tpu.memory_space<vmem>>) target_semaphore(%arg13 : memref<!tpu.dma_semaphore, #tpu.memory_space<semaphore_mem>>)
    %dma_start3A_43 = arith.constant 1 : i32
    %dma_start3A_44 = arith.constant 0 : i32
    %dma_start3A_45 = tpu.memref_slice %arg8[%dma_start3A_43, %dma_start3A_44] : memref<2x4096xf32, #tpu.memory_space<vmem>> -> memref<1x4096xf32, #tpu.memory_space<vmem>>
    %dma_start3A_46 = tpu.memref_squeeze %dma_start3A_45 : memref<1x4096xf32, #tpu.memory_space<vmem>> -> memref<4096xf32, #tpu.memory_space<vmem>>
    %dma_start3A_47 = tpu.memref_slice %arg3[%add3A_33] : memref<1048576xf32, #tpu.memory_space<hbm>> -> memref<4096xf32, #tpu.memory_space<hbm>>
    %dma_start3A_48 = arith.constant 0 : i32
    %dma_start3A_49 = tpu.memref_slice %arg8[%dma_start3A_43, %dma_start3A_48] : memref<2x4096xf32, #tpu.memory_space<vmem>> -> memref<1x4096xf32, #tpu.memory_space<vmem>>
    %dma_start3A_50 = tpu.memref_squeeze %dma_start3A_49 : memref<1x4096xf32, #tpu.memory_space<vmem>> -> memref<4096xf32, #tpu.memory_space<vmem>>
    %dma_start3A_51 = tpu.memref_slice %arg3[%add3A_33] : memref<1048576xf32, #tpu.memory_space<hbm>> -> memref<4096xf32, #tpu.memory_space<hbm>>
    tpu.enqueue_dma source(%dma_start3A_51 : memref<4096xf32, #tpu.memory_space<hbm>>) target(%dma_start3A_50 : memref<4096xf32, #tpu.memory_space<vmem>>) target_semaphore(%arg13 : memref<!tpu.dma_semaphore, #tpu.memory_space<semaphore_mem>>)
    %dma_start3A_52 = arith.constant 1 : i32
    %dma_start3A_53 = arith.constant 0 : i32
    %dma_start3A_54 = tpu.memref_slice %arg9[%dma_start3A_52, %dma_start3A_53] : memref<2x4096xf32, #tpu.memory_space<vmem>> -> memref<1x4096xf32, #tpu.memory_space<vmem>>
    %dma_start3A_55 = tpu.memref_squeeze %dma_start3A_54 : memref<1x4096xf32, #tpu.memory_space<vmem>> -> memref<4096xf32, #tpu.memory_space<vmem>>
    %dma_start3A_56 = tpu.memref_slice %arg4[%add3A_33] : memref<1048576xf32, #tpu.memory_space<hbm>> -> memref<4096xf32, #tpu.memory_space<hbm>>
    %dma_start3A_57 = arith.constant 0 : i32
    %dma_start3A_58 = tpu.memref_slice %arg9[%dma_start3A_52, %dma_start3A_57] : memref<2x4096xf32, #tpu.memory_space<vmem>> -> memref<1x4096xf32, #tpu.memory_space<vmem>>
    %dma_start3A_59 = tpu.memref_squeeze %dma_start3A_58 : memref<1x4096xf32, #tpu.memory_space<vmem>> -> memref<4096xf32, #tpu.memory_space<vmem>>
    %dma_start3A_60 = tpu.memref_slice %arg4[%add3A_33] : memref<1048576xf32, #tpu.memory_space<hbm>> -> memref<4096xf32, #tpu.memory_space<hbm>>
    tpu.enqueue_dma source(%dma_start3A_60 : memref<4096xf32, #tpu.memory_space<hbm>>) target(%dma_start3A_59 : memref<4096xf32, #tpu.memory_space<vmem>>) target_semaphore(%arg13 : memref<!tpu.dma_semaphore, #tpu.memory_space<semaphore_mem>>)
    %dma_wait3A = arith.constant 0 : i32
    %dma_wait3A_61 = arith.constant 0 : i32
    %dma_wait3A_62 = tpu.memref_slice %arg7[%dma_wait3A, %dma_wait3A_61] : memref<2x4096xf32, #tpu.memory_space<vmem>> -> memref<1x4096xf32, #tpu.memory_space<vmem>>
    %dma_wait3A_63 = tpu.memref_squeeze %dma_wait3A_62 : memref<1x4096xf32, #tpu.memory_space<vmem>> -> memref<4096xf32, #tpu.memory_space<vmem>>
    %dma_wait3A_64 = tpu.memref_slice %arg2[%add3A_5] : memref<1048576xf32, #tpu.memory_space<hbm>> -> memref<4096xf32, #tpu.memory_space<hbm>>
    %dma_wait3A_65 = arith.constant 0 : i32
    %dma_wait3A_66 = tpu.memref_slice %arg7[%dma_wait3A, %dma_wait3A_65] : memref<2x4096xf32, #tpu.memory_space<vmem>> -> memref<1x4096xf32, #tpu.memory_space<vmem>>
    %dma_wait3A_67 = tpu.memref_squeeze %dma_wait3A_66 : memref<1x4096xf32, #tpu.memory_space<vmem>> -> memref<4096xf32, #tpu.memory_space<vmem>>
    %dma_wait3A_68 = tpu.memref_slice %arg2[%add3A_5] : memref<1048576xf32, #tpu.memory_space<hbm>> -> memref<4096xf32, #tpu.memory_space<hbm>>
    tpu.wait_dma2 semaphore(%arg12 : memref<!tpu.dma_semaphore, #tpu.memory_space<semaphore_mem>>) src(%dma_wait3A_68 : memref<4096xf32, #tpu.memory_space<hbm>>) dst(%dma_wait3A_67 : memref<4096xf32, #tpu.memory_space<vmem>>)
    %dma_wait3A_69 = arith.constant 0 : i32
    %dma_wait3A_70 = arith.constant 0 : i32
    %dma_wait3A_71 = tpu.memref_slice %arg8[%dma_wait3A_69, %dma_wait3A_70] : memref<2x4096xf32, #tpu.memory_space<vmem>> -> memref<1x4096xf32, #tpu.memory_space<vmem>>
    %dma_wait3A_72 = tpu.memref_squeeze %dma_wait3A_71 : memref<1x4096xf32, #tpu.memory_space<vmem>> -> memref<4096xf32, #tpu.memory_space<vmem>>
    %dma_wait3A_73 = tpu.memref_slice %arg3[%add3A_5] : memref<1048576xf32, #tpu.memory_space<hbm>> -> memref<4096xf32, #tpu.memory_space<hbm>>
    %dma_wait3A_74 = arith.constant 0 : i32
    %dma_wait3A_75 = tpu.memref_slice %arg8[%dma_wait3A_69, %dma_wait3A_74] : memref<2x4096xf32, #tpu.memory_space<vmem>> -> memref<1x4096xf32, #tpu.memory_space<vmem>>
    %dma_wait3A_76 = tpu.memref_squeeze %dma_wait3A_75 : memref<1x4096xf32, #tpu.memory_space<vmem>> -> memref<4096xf32, #tpu.memory_space<vmem>>
    %dma_wait3A_77 = tpu.memref_slice %arg3[%add3A_5] : memref<1048576xf32, #tpu.memory_space<hbm>> -> memref<4096xf32, #tpu.memory_space<hbm>>
    tpu.wait_dma2 semaphore(%arg12 : memref<!tpu.dma_semaphore, #tpu.memory_space<semaphore_mem>>) src(%dma_wait3A_77 : memref<4096xf32, #tpu.memory_space<hbm>>) dst(%dma_wait3A_76 : memref<4096xf32, #tpu.memory_space<vmem>>)
    %dma_wait3A_78 = arith.constant 0 : i32
    %dma_wait3A_79 = arith.constant 0 : i32
    %dma_wait3A_80 = tpu.memref_slice %arg9[%dma_wait3A_78, %dma_wait3A_79] : memref<2x4096xf32, #tpu.memory_space<vmem>> -> memref<1x4096xf32, #tpu.memory_space<vmem>>
    %dma_wait3A_81 = tpu.memref_squeeze %dma_wait3A_80 : memref<1x4096xf32, #tpu.memory_space<vmem>> -> memref<4096xf32, #tpu.memory_space<vmem>>
    %dma_wait3A_82 = tpu.memref_slice %arg4[%add3A_5] : memref<1048576xf32, #tpu.memory_space<hbm>> -> memref<4096xf32, #tpu.memory_space<hbm>>
    %dma_wait3A_83 = arith.constant 0 : i32
    %dma_wait3A_84 = tpu.memref_slice %arg9[%dma_wait3A_78, %dma_wait3A_83] : memref<2x4096xf32, #tpu.memory_space<vmem>> -> memref<1x4096xf32, #tpu.memory_space<vmem>>
    %dma_wait3A_85 = tpu.memref_squeeze %dma_wait3A_84 : memref<1x4096xf32, #tpu.memory_space<vmem>> -> memref<4096xf32, #tpu.memory_space<vmem>>
    %dma_wait3A_86 = tpu.memref_slice %arg4[%add3A_5] : memref<1048576xf32, #tpu.memory_space<hbm>> -> memref<4096xf32, #tpu.memory_space<hbm>>
    tpu.wait_dma2 semaphore(%arg12 : memref<!tpu.dma_semaphore, #tpu.memory_space<semaphore_mem>>) src(%dma_wait3A_86 : memref<4096xf32, #tpu.memory_space<hbm>>) dst(%dma_wait3A_85 : memref<4096xf32, #tpu.memory_space<vmem>>)
    %parallel_loop3A = arith.constant 0 : i32
    %parallel_loop3A_87 = arith.constant 4096 : i32
    %parallel_loop3A_88 = arith.constant 32 : i32
    %parallel_loop3A_89:4 = scf.for %parallel_loop3A_162 = %parallel_loop3A to %parallel_loop3A_87 step %parallel_loop3A_88 iter_args(%parallel_loop3A_163 = %broadcast_in_dim3A_3, %parallel_loop3A_164 = %broadcast_in_dim3A_3, %parallel_loop3A_165 = %broadcast_in_dim3A_3, %parallel_loop3A_166 = %broadcast_in_dim3A_3) -> (vector<16xf32>, vector<16xf32>, vector<16xf32>, vector<16xf32>)  : i32 {
      %parallel_loop3A_167 = arith.constant 0 : i32
      %parallel_loop3A_168 = arith.addi %parallel_loop3A_162, %parallel_loop3A_167 : i32
      %parallel_loop3A_169 = arith.constant 0 : i32
      %parallel_loop3A_170 = arith.index_cast %parallel_loop3A_169 : i32 to index
      %parallel_loop3A_171 = arith.index_cast %parallel_loop3A_168 : i32 to index
      %parallel_loop3A_172 = tpu.vector_load %arg7[%parallel_loop3A_170, %parallel_loop3A_171] {strides = array<i32>} : memref<2x4096xf32, #tpu.memory_space<vmem>>, vector<1x16xf32>,
      %parallel_loop3A_173 = vector.shape_cast %parallel_loop3A_172 : vector<1x16xf32> to vector<16xf32>
      %parallel_loop3A_174 = arith.constant 0 : i32
      %parallel_loop3A_175 = arith.addi %parallel_loop3A_162, %parallel_loop3A_174 : i32
      %parallel_loop3A_176 = arith.constant 0 : i32
      %parallel_loop3A_177 = arith.index_cast %parallel_loop3A_176 : i32 to index
      %parallel_loop3A_178 = arith.index_cast %parallel_loop3A_175 : i32 to index
      %parallel_loop3A_179 = tpu.vector_load %arg8[%parallel_loop3A_177, %parallel_loop3A_178] {strides = array<i32>} : memref<2x4096xf32, #tpu.memory_space<vmem>>, vector<1x16xf32>,
      %parallel_loop3A_180 = vector.shape_cast %parallel_loop3A_179 : vector<1x16xf32> to vector<16xf32>
      %parallel_loop3A_181 = arith.constant 0 : i32
      %parallel_loop3A_182 = arith.addi %parallel_loop3A_162, %parallel_loop3A_181 : i32
      %parallel_loop3A_183 = arith.constant 0 : i32
      %parallel_loop3A_184 = arith.index_cast %parallel_loop3A_183 : i32 to index
      %parallel_loop3A_185 = arith.index_cast %parallel_loop3A_182 : i32 to index
      %parallel_loop3A_186 = tpu.vector_load %arg9[%parallel_loop3A_184, %parallel_loop3A_185] {strides = array<i32>} : memref<2x4096xf32, #tpu.memory_space<vmem>>, vector<1x16xf32>,
      %parallel_loop3A_187 = vector.shape_cast %parallel_loop3A_186 : vector<1x16xf32> to vector<16xf32>
      %parallel_loop3A_188 = arith.mulf %parallel_loop3A_173, %parallel_loop3A_187 : vector<16xf32>
      %parallel_loop3A_189 = arith.constant 0.000000e+00 : f32
      %parallel_loop3A_190 = vector.broadcast %parallel_loop3A_189 : f32 to vector<16xf32>
      %parallel_loop3A_191 = arith.cmpf ogt, %parallel_loop3A_188, %parallel_loop3A_190 : vector<16xf32>
      %parallel_loop3A_192 = arith.subf %parallel_loop3A_188, %parallel_loop3A_180 : vector<16xf32>
      %parallel_loop3A_193 = math.absf %parallel_loop3A_192 : vector<16xf32>
      %parallel_loop3A_194 = arith.divf %parallel_loop3A_193, %parallel_loop3A_188 : vector<16xf32>
      %parallel_loop3A_195 = arith.constant 0.000000e+00 : f32
      %parallel_loop3A_196 = vector.broadcast %parallel_loop3A_195 : f32 to vector<16xf32>
      %parallel_loop3A_197 = arith.select %parallel_loop3A_191, %parallel_loop3A_194, %parallel_loop3A_196 : vector<16xi1>, vector<16xf32>
      %parallel_loop3A_198 = arith.constant 1.000000e+00 : f32
      %parallel_loop3A_199 = arith.constant 0.000000e+00 : f32
      %parallel_loop3A_200 = vector.broadcast %parallel_loop3A_198 : f32 to vector<16xf32>
      %parallel_loop3A_201 = vector.broadcast %parallel_loop3A_199 : f32 to vector<16xf32>
      %parallel_loop3A_202 = arith.select %parallel_loop3A_191, %parallel_loop3A_200, %parallel_loop3A_201 : vector<16xi1>, vector<16xf32>
      %parallel_loop3A_203 = arith.constant 16 : i32
      %parallel_loop3A_204 = arith.addi %parallel_loop3A_162, %parallel_loop3A_203 : i32
      %parallel_loop3A_205 = arith.constant 0 : i32
      %parallel_loop3A_206 = arith.index_cast %parallel_loop3A_205 : i32 to index
      %parallel_loop3A_207 = arith.index_cast %parallel_loop3A_204 : i32 to index
      %parallel_loop3A_208 = tpu.vector_load %arg7[%parallel_loop3A_206, %parallel_loop3A_207] {strides = array<i32>} : memref<2x4096xf32, #tpu.memory_space<vmem>>, vector<1x16xf32>,
      %parallel_loop3A_209 = vector.shape_cast %parallel_loop3A_208 : vector<1x16xf32> to vector<16xf32>
      %parallel_loop3A_210 = arith.constant 16 : i32
      %parallel_loop3A_211 = arith.addi %parallel_loop3A_162, %parallel_loop3A_210 : i32
      %parallel_loop3A_212 = arith.constant 0 : i32
      %parallel_loop3A_213 = arith.index_cast %parallel_loop3A_212 : i32 to index
      %parallel_loop3A_214 = arith.index_cast %parallel_loop3A_211 : i32 to index
      %parallel_loop3A_215 = tpu.vector_load %arg8[%parallel_loop3A_213, %parallel_loop3A_214] {strides = array<i32>} : memref<2x4096xf32, #tpu.memory_space<vmem>>, vector<1x16xf32>,
      %parallel_loop3A_216 = vector.shape_cast %parallel_loop3A_215 : vector<1x16xf32> to vector<16xf32>
      %parallel_loop3A_217 = arith.constant 16 : i32
      %parallel_loop3A_218 = arith.addi %parallel_loop3A_162, %parallel_loop3A_217 : i32
      %parallel_loop3A_219 = arith.constant 0 : i32
      %parallel_loop3A_220 = arith.index_cast %parallel_loop3A_219 : i32 to index
      %parallel_loop3A_221 = arith.index_cast %parallel_loop3A_218 : i32 to index
      %parallel_loop3A_222 = tpu.vector_load %arg9[%parallel_loop3A_220, %parallel_loop3A_221] {strides = array<i32>} : memref<2x4096xf32, #tpu.memory_space<vmem>>, vector<1x16xf32>,
      %parallel_loop3A_223 = vector.shape_cast %parallel_loop3A_222 : vector<1x16xf32> to vector<16xf32>
      %parallel_loop3A_224 = arith.mulf %parallel_loop3A_209, %parallel_loop3A_223 : vector<16xf32>
      %parallel_loop3A_225 = arith.constant 0.000000e+00 : f32
      %parallel_loop3A_226 = vector.broadcast %parallel_loop3A_225 : f32 to vector<16xf32>
      %parallel_loop3A_227 = arith.cmpf ogt, %parallel_loop3A_224, %parallel_loop3A_226 : vector<16xf32>
      %parallel_loop3A_228 = arith.subf %parallel_loop3A_224, %parallel_loop3A_216 : vector<16xf32>
      %parallel_loop3A_229 = math.absf %parallel_loop3A_228 : vector<16xf32>
      %parallel_loop3A_230 = arith.divf %parallel_loop3A_229, %parallel_loop3A_224 : vector<16xf32>
      %parallel_loop3A_231 = arith.constant 0.000000e+00 : f32
      %parallel_loop3A_232 = vector.broadcast %parallel_loop3A_231 : f32 to vector<16xf32>
      %parallel_loop3A_233 = arith.select %parallel_loop3A_227, %parallel_loop3A_230, %parallel_loop3A_232 : vector<16xi1>, vector<16xf32>
      %parallel_loop3A_234 = arith.constant 1.000000e+00 : f32
      %parallel_loop3A_235 = arith.constant 0.000000e+00 : f32
      %parallel_loop3A_236 = vector.broadcast %parallel_loop3A_234 : f32 to vector<16xf32>
      %parallel_loop3A_237 = vector.broadcast %parallel_loop3A_235 : f32 to vector<16xf32>
      %parallel_loop3A_238 = arith.select %parallel_loop3A_227, %parallel_loop3A_236, %parallel_loop3A_237 : vector<16xi1>, vector<16xf32>
      %parallel_loop3A_239 = arith.addf %parallel_loop3A_163, %parallel_loop3A_197 : vector<16xf32>
      %parallel_loop3A_240 = arith.addf %parallel_loop3A_164, %parallel_loop3A_202 : vector<16xf32>
      %parallel_loop3A_241 = arith.addf %parallel_loop3A_165, %parallel_loop3A_233 : vector<16xf32>
      %parallel_loop3A_242 = arith.addf %parallel_loop3A_166, %parallel_loop3A_238 : vector<16xf32>
      scf.yield %parallel_loop3A_239, %parallel_loop3A_240, %parallel_loop3A_241, %parallel_loop3A_242 : vector<16xf32>, vector<16xf32>, vector<16xf32>, vector<16xf32>
    } {sc.loop_unroll_factor = 4 : i64, sc.parallel_access}
    %dma_wait3A_90 = arith.constant 1 : i32
    %dma_wait3A_91 = arith.constant 0 : i32
    %dma_wait3A_92 = tpu.memref_slice %arg7[%dma_wait3A_90, %dma_wait3A_91] : memref<2x4096xf32, #tpu.memory_space<vmem>> -> memref<1x4096xf32, #tpu.memory_space<vmem>>
    %dma_wait3A_93 = tpu.memref_squeeze %dma_wait3A_92 : memref<1x4096xf32, #tpu.memory_space<vmem>> -> memref<4096xf32, #tpu.memory_space<vmem>>
    %dma_wait3A_94 = tpu.memref_slice %arg2[%add3A_33] : memref<1048576xf32, #tpu.memory_space<hbm>> -> memref<4096xf32, #tpu.memory_space<hbm>>
    %dma_wait3A_95 = arith.constant 0 : i32
    %dma_wait3A_96 = tpu.memref_slice %arg7[%dma_wait3A_90, %dma_wait3A_95] : memref<2x4096xf32, #tpu.memory_space<vmem>> -> memref<1x4096xf32, #tpu.memory_space<vmem>>
    %dma_wait3A_97 = tpu.memref_squeeze %dma_wait3A_96 : memref<1x4096xf32, #tpu.memory_space<vmem>> -> memref<4096xf32, #tpu.memory_space<vmem>>
    %dma_wait3A_98 = tpu.memref_slice %arg2[%add3A_33] : memref<1048576xf32, #tpu.memory_space<hbm>> -> memref<4096xf32, #tpu.memory_space<hbm>>
    tpu.wait_dma2 semaphore(%arg13 : memref<!tpu.dma_semaphore, #tpu.memory_space<semaphore_mem>>) src(%dma_wait3A_98 : memref<4096xf32, #tpu.memory_space<hbm>>) dst(%dma_wait3A_97 : memref<4096xf32, #tpu.memory_space<vmem>>)
    %dma_wait3A_99 = arith.constant 1 : i32
    %dma_wait3A_100 = arith.constant 0 : i32
    %dma_wait3A_101 = tpu.memref_slice %arg8[%dma_wait3A_99, %dma_wait3A_100] : memref<2x4096xf32, #tpu.memory_space<vmem>> -> memref<1x4096xf32, #tpu.memory_space<vmem>>
    %dma_wait3A_102 = tpu.memref_squeeze %dma_wait3A_101 : memref<1x4096xf32, #tpu.memory_space<vmem>> -> memref<4096xf32, #tpu.memory_space<vmem>>
    %dma_wait3A_103 = tpu.memref_slice %arg3[%add3A_33] : memref<1048576xf32, #tpu.memory_space<hbm>> -> memref<4096xf32, #tpu.memory_space<hbm>>
    %dma_wait3A_104 = arith.constant 0 : i32
    %dma_wait3A_105 = tpu.memref_slice %arg8[%dma_wait3A_99, %dma_wait3A_104] : memref<2x4096xf32, #tpu.memory_space<vmem>> -> memref<1x4096xf32, #tpu.memory_space<vmem>>
    %dma_wait3A_106 = tpu.memref_squeeze %dma_wait3A_105 : memref<1x4096xf32, #tpu.memory_space<vmem>> -> memref<4096xf32, #tpu.memory_space<vmem>>
    %dma_wait3A_107 = tpu.memref_slice %arg3[%add3A_33] : memref<1048576xf32, #tpu.memory_space<hbm>> -> memref<4096xf32, #tpu.memory_space<hbm>>
    tpu.wait_dma2 semaphore(%arg13 : memref<!tpu.dma_semaphore, #tpu.memory_space<semaphore_mem>>) src(%dma_wait3A_107 : memref<4096xf32, #tpu.memory_space<hbm>>) dst(%dma_wait3A_106 : memref<4096xf32, #tpu.memory_space<vmem>>)
    %dma_wait3A_108 = arith.constant 1 : i32
    %dma_wait3A_109 = arith.constant 0 : i32
    %dma_wait3A_110 = tpu.memref_slice %arg9[%dma_wait3A_108, %dma_wait3A_109] : memref<2x4096xf32, #tpu.memory_space<vmem>> -> memref<1x4096xf32, #tpu.memory_space<vmem>>
    %dma_wait3A_111 = tpu.memref_squeeze %dma_wait3A_110 : memref<1x4096xf32, #tpu.memory_space<vmem>> -> memref<4096xf32, #tpu.memory_space<vmem>>
    %dma_wait3A_112 = tpu.memref_slice %arg4[%add3A_33] : memref<1048576xf32, #tpu.memory_space<hbm>> -> memref<4096xf32, #tpu.memory_space<hbm>>
    %dma_wait3A_113 = arith.constant 0 : i32
    %dma_wait3A_114 = tpu.memref_slice %arg9[%dma_wait3A_108, %dma_wait3A_113] : memref<2x4096xf32, #tpu.memory_space<vmem>> -> memref<1x4096xf32, #tpu.memory_space<vmem>>
    %dma_wait3A_115 = tpu.memref_squeeze %dma_wait3A_114 : memref<1x4096xf32, #tpu.memory_space<vmem>> -> memref<4096xf32, #tpu.memory_space<vmem>>
    %dma_wait3A_116 = tpu.memref_slice %arg4[%add3A_33] : memref<1048576xf32, #tpu.memory_space<hbm>> -> memref<4096xf32, #tpu.memory_space<hbm>>
    tpu.wait_dma2 semaphore(%arg13 : memref<!tpu.dma_semaphore, #tpu.memory_space<semaphore_mem>>) src(%dma_wait3A_116 : memref<4096xf32, #tpu.memory_space<hbm>>) dst(%dma_wait3A_115 : memref<4096xf32, #tpu.memory_space<vmem>>)
    %parallel_loop3A_117 = arith.constant 0 : i32
    %parallel_loop3A_118 = arith.constant 4096 : i32
    %parallel_loop3A_119 = arith.constant 32 : i32
    %parallel_loop3A_120:4 = scf.for %parallel_loop3A_162 = %parallel_loop3A_117 to %parallel_loop3A_118 step %parallel_loop3A_119 iter_args(%parallel_loop3A_163 = %parallel_loop3A_89#0, %parallel_loop3A_164 = %parallel_loop3A_89#1, %parallel_loop3A_165 = %parallel_loop3A_89#2, %parallel_loop3A_166 = %parallel_loop3A_89#3) -> (vector<16xf32>, vector<16xf32>, vector<16xf32>, vector<16xf32>)  : i32 {
      %parallel_loop3A_167 = arith.constant 0 : i32
      %parallel_loop3A_168 = arith.addi %parallel_loop3A_162, %parallel_loop3A_167 : i32
      %parallel_loop3A_169 = arith.constant 1 : i32
      %parallel_loop3A_170 = arith.index_cast %parallel_loop3A_169 : i32 to index
      %parallel_loop3A_171 = arith.index_cast %parallel_loop3A_168 : i32 to index
      %parallel_loop3A_172 = tpu.vector_load %arg7[%parallel_loop3A_170, %parallel_loop3A_171] {strides = array<i32>} : memref<2x4096xf32, #tpu.memory_space<vmem>>, vector<1x16xf32>,
      %parallel_loop3A_173 = vector.shape_cast %parallel_loop3A_172 : vector<1x16xf32> to vector<16xf32>
      %parallel_loop3A_174 = arith.constant 0 : i32
      %parallel_loop3A_175 = arith.addi %parallel_loop3A_162, %parallel_loop3A_174 : i32
      %parallel_loop3A_176 = arith.constant 1 : i32
      %parallel_loop3A_177 = arith.index_cast %parallel_loop3A_176 : i32 to index
      %parallel_loop3A_178 = arith.index_cast %parallel_loop3A_175 : i32 to index
      %parallel_loop3A_179 = tpu.vector_load %arg8[%parallel_loop3A_177, %parallel_loop3A_178] {strides = array<i32>} : memref<2x4096xf32, #tpu.memory_space<vmem>>, vector<1x16xf32>,
      %parallel_loop3A_180 = vector.shape_cast %parallel_loop3A_179 : vector<1x16xf32> to vector<16xf32>
      %parallel_loop3A_181 = arith.constant 0 : i32
      %parallel_loop3A_182 = arith.addi %parallel_loop3A_162, %parallel_loop3A_181 : i32
      %parallel_loop3A_183 = arith.constant 1 : i32
      %parallel_loop3A_184 = arith.index_cast %parallel_loop3A_183 : i32 to index
      %parallel_loop3A_185 = arith.index_cast %parallel_loop3A_182 : i32 to index
      %parallel_loop3A_186 = tpu.vector_load %arg9[%parallel_loop3A_184, %parallel_loop3A_185] {strides = array<i32>} : memref<2x4096xf32, #tpu.memory_space<vmem>>, vector<1x16xf32>,
      %parallel_loop3A_187 = vector.shape_cast %parallel_loop3A_186 : vector<1x16xf32> to vector<16xf32>
      %parallel_loop3A_188 = arith.mulf %parallel_loop3A_173, %parallel_loop3A_187 : vector<16xf32>
      %parallel_loop3A_189 = arith.constant 0.000000e+00 : f32
      %parallel_loop3A_190 = vector.broadcast %parallel_loop3A_189 : f32 to vector<16xf32>
      %parallel_loop3A_191 = arith.cmpf ogt, %parallel_loop3A_188, %parallel_loop3A_190 : vector<16xf32>
      %parallel_loop3A_192 = arith.subf %parallel_loop3A_188, %parallel_loop3A_180 : vector<16xf32>
      %parallel_loop3A_193 = math.absf %parallel_loop3A_192 : vector<16xf32>
      %parallel_loop3A_194 = arith.divf %parallel_loop3A_193, %parallel_loop3A_188 : vector<16xf32>
      %parallel_loop3A_195 = arith.constant 0.000000e+00 : f32
      %parallel_loop3A_196 = vector.broadcast %parallel_loop3A_195 : f32 to vector<16xf32>
      %parallel_loop3A_197 = arith.select %parallel_loop3A_191, %parallel_loop3A_194, %parallel_loop3A_196 : vector<16xi1>, vector<16xf32>
      %parallel_loop3A_198 = arith.constant 1.000000e+00 : f32
      %parallel_loop3A_199 = arith.constant 0.000000e+00 : f32
      %parallel_loop3A_200 = vector.broadcast %parallel_loop3A_198 : f32 to vector<16xf32>
      %parallel_loop3A_201 = vector.broadcast %parallel_loop3A_199 : f32 to vector<16xf32>
      %parallel_loop3A_202 = arith.select %parallel_loop3A_191, %parallel_loop3A_200, %parallel_loop3A_201 : vector<16xi1>, vector<16xf32>
      %parallel_loop3A_203 = arith.constant 16 : i32
      %parallel_loop3A_204 = arith.addi %parallel_loop3A_162, %parallel_loop3A_203 : i32
      %parallel_loop3A_205 = arith.constant 1 : i32
      %parallel_loop3A_206 = arith.index_cast %parallel_loop3A_205 : i32 to index
      %parallel_loop3A_207 = arith.index_cast %parallel_loop3A_204 : i32 to index
      %parallel_loop3A_208 = tpu.vector_load %arg7[%parallel_loop3A_206, %parallel_loop3A_207] {strides = array<i32>} : memref<2x4096xf32, #tpu.memory_space<vmem>>, vector<1x16xf32>,
      %parallel_loop3A_209 = vector.shape_cast %parallel_loop3A_208 : vector<1x16xf32> to vector<16xf32>
      %parallel_loop3A_210 = arith.constant 16 : i32
      %parallel_loop3A_211 = arith.addi %parallel_loop3A_162, %parallel_loop3A_210 : i32
      %parallel_loop3A_212 = arith.constant 1 : i32
      %parallel_loop3A_213 = arith.index_cast %parallel_loop3A_212 : i32 to index
      %parallel_loop3A_214 = arith.index_cast %parallel_loop3A_211 : i32 to index
      %parallel_loop3A_215 = tpu.vector_load %arg8[%parallel_loop3A_213, %parallel_loop3A_214] {strides = array<i32>} : memref<2x4096xf32, #tpu.memory_space<vmem>>, vector<1x16xf32>,
      %parallel_loop3A_216 = vector.shape_cast %parallel_loop3A_215 : vector<1x16xf32> to vector<16xf32>
      %parallel_loop3A_217 = arith.constant 16 : i32
      %parallel_loop3A_218 = arith.addi %parallel_loop3A_162, %parallel_loop3A_217 : i32
      %parallel_loop3A_219 = arith.constant 1 : i32
      %parallel_loop3A_220 = arith.index_cast %parallel_loop3A_219 : i32 to index
      %parallel_loop3A_221 = arith.index_cast %parallel_loop3A_218 : i32 to index
      %parallel_loop3A_222 = tpu.vector_load %arg9[%parallel_loop3A_220, %parallel_loop3A_221] {strides = array<i32>} : memref<2x4096xf32, #tpu.memory_space<vmem>>, vector<1x16xf32>,
      %parallel_loop3A_223 = vector.shape_cast %parallel_loop3A_222 : vector<1x16xf32> to vector<16xf32>
      %parallel_loop3A_224 = arith.mulf %parallel_loop3A_209, %parallel_loop3A_223 : vector<16xf32>
      %parallel_loop3A_225 = arith.constant 0.000000e+00 : f32
      %parallel_loop3A_226 = vector.broadcast %parallel_loop3A_225 : f32 to vector<16xf32>
      %parallel_loop3A_227 = arith.cmpf ogt, %parallel_loop3A_224, %parallel_loop3A_226 : vector<16xf32>
      %parallel_loop3A_228 = arith.subf %parallel_loop3A_224, %parallel_loop3A_216 : vector<16xf32>
      %parallel_loop3A_229 = math.absf %parallel_loop3A_228 : vector<16xf32>
      %parallel_loop3A_230 = arith.divf %parallel_loop3A_229, %parallel_loop3A_224 : vector<16xf32>
      %parallel_loop3A_231 = arith.constant 0.000000e+00 : f32
      %parallel_loop3A_232 = vector.broadcast %parallel_loop3A_231 : f32 to vector<16xf32>
      %parallel_loop3A_233 = arith.select %parallel_loop3A_227, %parallel_loop3A_230, %parallel_loop3A_232 : vector<16xi1>, vector<16xf32>
      %parallel_loop3A_234 = arith.constant 1.000000e+00 : f32
      %parallel_loop3A_235 = arith.constant 0.000000e+00 : f32
      %parallel_loop3A_236 = vector.broadcast %parallel_loop3A_234 : f32 to vector<16xf32>
      %parallel_loop3A_237 = vector.broadcast %parallel_loop3A_235 : f32 to vector<16xf32>
      %parallel_loop3A_238 = arith.select %parallel_loop3A_227, %parallel_loop3A_236, %parallel_loop3A_237 : vector<16xi1>, vector<16xf32>
      %parallel_loop3A_239 = arith.addf %parallel_loop3A_163, %parallel_loop3A_197 : vector<16xf32>
      %parallel_loop3A_240 = arith.addf %parallel_loop3A_164, %parallel_loop3A_202 : vector<16xf32>
      %parallel_loop3A_241 = arith.addf %parallel_loop3A_165, %parallel_loop3A_233 : vector<16xf32>
      %parallel_loop3A_242 = arith.addf %parallel_loop3A_166, %parallel_loop3A_238 : vector<16xf32>
      scf.yield %parallel_loop3A_239, %parallel_loop3A_240, %parallel_loop3A_241, %parallel_loop3A_242 : vector<16xf32>, vector<16xf32>, vector<16xf32>, vector<16xf32>
    } {sc.loop_unroll_factor = 4 : i64, sc.parallel_access}
    %add3A_121 = arith.addf %parallel_loop3A_120#0, %parallel_loop3A_120#2 : vector<16xf32>
    %swap3A = arith.constant 0 : index
    %swap3A_122 = tpu.vector_load %arg10[%swap3A] {strides = array<i32>} : memref<16xf32, #tpu.memory_space<vmem>>, vector<16xf32>,
    %swap3A_123 = vector.shape_cast %swap3A_122 : vector<16xf32> to vector<16xf32>
    %swap3A_124 = vector.shape_cast %add3A_121 : vector<16xf32> to vector<16xf32>
    tpu.vector_store %arg10[%swap3A], %swap3A_124 {strides = array<i32>} : memref<16xf32, #tpu.memory_space<vmem>>, vector<16xf32>,
    %add3A_125 = arith.addf %parallel_loop3A_120#1, %parallel_loop3A_120#3 : vector<16xf32>
    %swap3A_126 = arith.constant 0 : index
    %swap3A_127 = tpu.vector_load %arg11[%swap3A_126] {strides = array<i32>} : memref<16xf32, #tpu.memory_space<vmem>>, vector<16xf32>,
    %swap3A_128 = vector.shape_cast %swap3A_127 : vector<16xf32> to vector<16xf32>
    %swap3A_129 = vector.shape_cast %add3A_125 : vector<16xf32> to vector<16xf32>
    tpu.vector_store %arg11[%swap3A_126], %swap3A_129 {strides = array<i32>} : memref<16xf32, #tpu.memory_space<vmem>>, vector<16xf32>,
    %jit3A = arith.constant 8 : i32
    %div3A = arith.divsi %add3A, %jit3A : i32
    %sign3A = arith.constant 0 : i32
    %sign3A_130 = arith.cmpi sgt, %add3A, %sign3A : i32
    %sign3A_131 = arith.extui %sign3A_130 : i1 to i32
    %sign3A_132 = arith.constant 0 : i32
    %sign3A_133 = arith.cmpi slt, %add3A, %sign3A_132 : i32
    %sign3A_134 = arith.extui %sign3A_133 : i1 to i32
    %sign3A_135 = arith.subi %sign3A_131, %sign3A_134 : i32
    %sign3A_136 = arith.constant 0 : i32
    %sign3A_137 = arith.cmpi sgt, %jit3A, %sign3A_136 : i32
    %sign3A_138 = arith.extui %sign3A_137 : i1 to i32
    %sign3A_139 = arith.constant 0 : i32
    %sign3A_140 = arith.cmpi slt, %jit3A, %sign3A_139 : i32
    %sign3A_141 = arith.extui %sign3A_140 : i1 to i32
    %sign3A_142 = arith.subi %sign3A_138, %sign3A_141 : i32
    %ne3A = arith.cmpi ne, %sign3A_135, %sign3A_142 : i32
    %rem3A = arith.remsi %add3A, %jit3A : i32
    %ne3A_143 = arith.constant 0 : i32
    %ne3A_144 = arith.cmpi ne, %rem3A, %ne3A_143 : i32
    %and3A = arith.andi %ne3A, %ne3A_144 : i1
    %sub3A = arith.constant 1 : i32
    %sub3A_145 = arith.subi %div3A, %sub3A : i32
    %select_n3A = arith.select %and3A, %sub3A_145, %div3A : i32
    %jit3A_146 = arith.constant 8 : i32
    %eq3A = arith.constant 0 : i32
    %eq3A_147 = arith.cmpi eq, %jit3A_146, %eq3A : i32
    %jit3A_148 = arith.constant 1 : i32
    %select_n3A_149 = arith.select %eq3A_147, %jit3A_148, %jit3A_146 : i32
    %rem3A_150 = arith.remsi %add3A, %select_n3A_149 : i32
    %ne3A_151 = arith.constant 0 : i32
    %ne3A_152 = arith.cmpi ne, %rem3A_150, %ne3A_151 : i32
    %lt3A = arith.constant 0 : i32
    %lt3A_153 = arith.cmpi slt, %rem3A_150, %lt3A : i32
    %lt3A_154 = arith.constant 0 : i32
    %lt3A_155 = arith.cmpi slt, %select_n3A_149, %lt3A_154 : i32
    %ne3A_156 = arith.xori %lt3A_153, %lt3A_155 : i1
    %and3A_157 = arith.andi %ne3A_156, %ne3A_152 : i1
    %add3A_158 = arith.addi %rem3A_150, %select_n3A_149 : i32
    %select_n3A_159 = arith.select %and3A_157, %add3A_158, %rem3A_150 : i32
    %mul3A_160 = arith.constant 16 : i32
    %mul3A_161 = arith.muli %select_n3A_159, %mul3A_160 : i32
    "tpu.region"() ({
      %run_scoped3A = tpu.sem_alloc : memref<!tpu.dma_semaphore, #tpu.memory_space<semaphore_mem>>
      %dma_start3A_162 = tpu.memref_slice %arg5[%select_n3A, %mul3A_161] : memref<8x128xf32, #tpu.memory_space<hbm>> -> memref<1x16xf32, #tpu.memory_space<hbm>>
      %dma_start3A_163 = tpu.memref_squeeze %dma_start3A_162 : memref<1x16xf32, #tpu.memory_space<hbm>> -> memref<16xf32, #tpu.memory_space<hbm>>
      %dma_start3A_164 = tpu.memref_slice %arg5[%select_n3A, %mul3A_161] : memref<8x128xf32, #tpu.memory_space<hbm>> -> memref<1x16xf32, #tpu.memory_space<hbm>>
      %dma_start3A_165 = tpu.memref_squeeze %dma_start3A_164 : memref<1x16xf32, #tpu.memory_space<hbm>> -> memref<16xf32, #tpu.memory_space<hbm>>
      tpu.enqueue_dma source(%arg10 : memref<16xf32, #tpu.memory_space<vmem>>) target(%dma_start3A_165 : memref<16xf32, #tpu.memory_space<hbm>>) target_semaphore(%run_scoped3A : memref<!tpu.dma_semaphore, #tpu.memory_space<semaphore_mem>>)
      %dma_wait3A_166 = tpu.memref_slice %arg5[%select_n3A, %mul3A_161] : memref<8x128xf32, #tpu.memory_space<hbm>> -> memref<1x16xf32, #tpu.memory_space<hbm>>
      %dma_wait3A_167 = tpu.memref_squeeze %dma_wait3A_166 : memref<1x16xf32, #tpu.memory_space<hbm>> -> memref<16xf32, #tpu.memory_space<hbm>>
      %dma_wait3A_168 = tpu.memref_slice %arg5[%select_n3A, %mul3A_161] : memref<8x128xf32, #tpu.memory_space<hbm>> -> memref<1x16xf32, #tpu.memory_space<hbm>>
      %dma_wait3A_169 = tpu.memref_squeeze %dma_wait3A_168 : memref<1x16xf32, #tpu.memory_space<hbm>> -> memref<16xf32, #tpu.memory_space<hbm>>
      tpu.wait_dma2 semaphore(%run_scoped3A : memref<!tpu.dma_semaphore, #tpu.memory_space<semaphore_mem>>) src(%arg10 : memref<16xf32, #tpu.memory_space<vmem>>) dst(%dma_wait3A_169 : memref<16xf32, #tpu.memory_space<hbm>>)
      tpu.yield
    }) : () -> ()
    "tpu.region"() ({
      %run_scoped3A = tpu.sem_alloc : memref<!tpu.dma_semaphore, #tpu.memory_space<semaphore_mem>>
      %dma_start3A_162 = tpu.memref_slice %arg6[%select_n3A, %mul3A_161] : memref<8x128xf32, #tpu.memory_space<hbm>> -> memref<1x16xf32, #tpu.memory_space<hbm>>
      %dma_start3A_163 = tpu.memref_squeeze %dma_start3A_162 : memref<1x16xf32, #tpu.memory_space<hbm>> -> memref<16xf32, #tpu.memory_space<hbm>>
      %dma_start3A_164 = tpu.memref_slice %arg6[%select_n3A, %mul3A_161] : memref<8x128xf32, #tpu.memory_space<hbm>> -> memref<1x16xf32, #tpu.memory_space<hbm>>
      %dma_start3A_165 = tpu.memref_squeeze %dma_start3A_164 : memref<1x16xf32, #tpu.memory_space<hbm>> -> memref<16xf32, #tpu.memory_space<hbm>>
      tpu.enqueue_dma source(%arg11 : memref<16xf32, #tpu.memory_space<vmem>>) target(%dma_start3A_165 : memref<16xf32, #tpu.memory_space<hbm>>) target_semaphore(%run_scoped3A : memref<!tpu.dma_semaphore, #tpu.memory_space<semaphore_mem>>)
      %dma_wait3A_166 = tpu.memref_slice %arg6[%select_n3A, %mul3A_161] : memref<8x128xf32, #tpu.memory_space<hbm>> -> memref<1x16xf32, #tpu.memory_space<hbm>>
      %dma_wait3A_167 = tpu.memref_squeeze %dma_wait3A_166 : memref<1x16xf32, #tpu.memory_space<hbm>> -> memref<16xf32, #tpu.memory_space<hbm>>
      %dma_wait3A_168 = tpu.memref_slice %arg6[%select_n3A, %mul3A_161] : memref<8x128xf32, #tpu.memory_space<hbm>> -> memref<1x16xf32, #tpu.memory_space<hbm>>
      %dma_wait3A_169 = tpu.memref_squeeze %dma_wait3A_168 : memref<1x16xf32, #tpu.memory_space<hbm>> -> memref<16xf32, #tpu.memory_space<hbm>>
      tpu.wait_dma2 semaphore(%run_scoped3A : memref<!tpu.dma_semaphore, #tpu.memory_space<semaphore_mem>>) src(%arg11 : memref<16xf32, #tpu.memory_space<vmem>>) dst(%dma_wait3A_169 : memref<16xf32, #tpu.memory_space<hbm>>)
      tpu.yield
    }) : () -> ()
    return
  }
}

module attributes {stable_mosaic.version = 14 : i64} {
  func.func @_finish_body(%arg0: memref<8x128xf32, #tpu.memory_space<vmem>>, %arg1: memref<8x128xf32, #tpu.memory_space<vmem>>, %arg2: memref<8x128xf32, #tpu.memory_space<vmem>>, %arg3: memref<8x128xf32, #tpu.memory_space<vmem>>, %arg4: memref<1x1xf32, #tpu.memory_space<smem>>) attributes {dimension_semantics = [], scalar_prefetch = 0 : i64, scratch_operands = 0 : i64, tpu.core_type = #tpu.core_type<tc>} {
    %get3A = arith.constant 0 : index
    %get3A_0 = arith.constant 0 : index
    %get3A_1 = vector.load %arg0[%get3A, %get3A_0] : memref<8x128xf32, #tpu.memory_space<vmem>>, vector<8x128xf32>
    %reduce_sum3A = vector.shape_cast %get3A_1 : vector<8x128xf32> to vector<1x8x128xf32>
    %reduce_sum3A_2 = arith.constant dense<0.000000e+00> : vector<1xf32>
    %reduce_sum3A_3 = vector.multi_reduction <add>, %reduce_sum3A, %reduce_sum3A_2 [1, 2] : vector<1x8x128xf32> to vector<1xf32>
    %reduce_sum3A_4 = vector.shape_cast %reduce_sum3A_3 : vector<1xf32> to vector<1x1x1xf32>
    %reduce_sum3A_5 = vector.extract %reduce_sum3A_4[0, 0, 0] : f32 from vector<1x1x1xf32>
    %get3A_6 = arith.constant 0 : index
    %get3A_7 = arith.constant 0 : index
    %get3A_8 = vector.load %arg2[%get3A_6, %get3A_7] : memref<8x128xf32, #tpu.memory_space<vmem>>, vector<8x128xf32>
    %reduce_sum3A_9 = vector.shape_cast %get3A_8 : vector<8x128xf32> to vector<1x8x128xf32>
    %reduce_sum3A_10 = arith.constant dense<0.000000e+00> : vector<1xf32>
    %reduce_sum3A_11 = vector.multi_reduction <add>, %reduce_sum3A_9, %reduce_sum3A_10 [1, 2] : vector<1x8x128xf32> to vector<1xf32>
    %reduce_sum3A_12 = vector.shape_cast %reduce_sum3A_11 : vector<1xf32> to vector<1x1x1xf32>
    %reduce_sum3A_13 = vector.extract %reduce_sum3A_12[0, 0, 0] : f32 from vector<1x1x1xf32>
    %add3A = arith.addf %reduce_sum3A_5, %reduce_sum3A_13 : f32
    %get3A_14 = arith.constant 0 : index
    %get3A_15 = arith.constant 0 : index
    %get3A_16 = vector.load %arg1[%get3A_14, %get3A_15] : memref<8x128xf32, #tpu.memory_space<vmem>>, vector<8x128xf32>
    %reduce_sum3A_17 = vector.shape_cast %get3A_16 : vector<8x128xf32> to vector<1x8x128xf32>
    %reduce_sum3A_18 = arith.constant dense<0.000000e+00> : vector<1xf32>
    %reduce_sum3A_19 = vector.multi_reduction <add>, %reduce_sum3A_17, %reduce_sum3A_18 [1, 2] : vector<1x8x128xf32> to vector<1xf32>
    %reduce_sum3A_20 = vector.shape_cast %reduce_sum3A_19 : vector<1xf32> to vector<1x1x1xf32>
    %reduce_sum3A_21 = vector.extract %reduce_sum3A_20[0, 0, 0] : f32 from vector<1x1x1xf32>
    %get3A_22 = arith.constant 0 : index
    %get3A_23 = arith.constant 0 : index
    %get3A_24 = vector.load %arg3[%get3A_22, %get3A_23] : memref<8x128xf32, #tpu.memory_space<vmem>>, vector<8x128xf32>
    %reduce_sum3A_25 = vector.shape_cast %get3A_24 : vector<8x128xf32> to vector<1x8x128xf32>
    %reduce_sum3A_26 = arith.constant dense<0.000000e+00> : vector<1xf32>
    %reduce_sum3A_27 = vector.multi_reduction <add>, %reduce_sum3A_25, %reduce_sum3A_26 [1, 2] : vector<1x8x128xf32> to vector<1xf32>
    %reduce_sum3A_28 = vector.shape_cast %reduce_sum3A_27 : vector<1xf32> to vector<1x1x1xf32>
    %reduce_sum3A_29 = vector.extract %reduce_sum3A_28[0, 0, 0] : f32 from vector<1x1x1xf32>
    %add3A_30 = arith.addf %reduce_sum3A_21, %reduce_sum3A_29 : f32
    %max3A = arith.constant 1.000000e+00 : f32
    %max3A_31 = arith.maximumf %add3A_30, %max3A : f32
    %div3A = arith.divf %add3A, %max3A_31 : f32
    %swap3A = arith.constant 0 : index
    %swap3A_32 = arith.constant 0 : index
    %swap3A_33 = memref.load %arg4[%swap3A, %swap3A_32] : memref<1x1xf32, #tpu.memory_space<smem>>
    memref.store %div3A, %arg4[%swap3A, %swap3A_32] : memref<1x1xf32, #tpu.memory_space<smem>>
    return
  }
}

module attributes {stable_mosaic.version = 14 : i64} {
  func.func @_tc_body(%arg0: i32, %arg1: memref<1024x128xf32, #tpu.memory_space<vmem>>, %arg2: memref<1024x128xf32, #tpu.memory_space<vmem>>, %arg3: memref<1024x128xf32, #tpu.memory_space<vmem>>, %arg4: memref<8x128xf32, #tpu.memory_space<vmem>>, %arg5: memref<8x128xf32, #tpu.memory_space<vmem>>, %arg6: memref<8x128xf32, #tpu.memory_space<vmem>>, %arg7: memref<8x128xf32, #tpu.memory_space<vmem>>) attributes {dimension_semantics = [#tpu.dimension_semantics<arbitrary>], iteration_bounds = array<i64: 6>, scalar_prefetch = 0 : i64, scratch_operands = 2 : i64, tpu.core_type = #tpu.core_type<tc>, window_params = [{transform_indices = @transform_0, window_bounds = array<i64: 1024, 128>}, {transform_indices = @transform_1, window_bounds = array<i64: 1024, 128>}, {transform_indices = @transform_2, window_bounds = array<i64: 1024, 128>}, {pipeline_mode = #tpu.pipeline_mode<synchronous>, transform_indices = @transform_3, window_bounds = array<i64: 8, 128>}, {pipeline_mode = #tpu.pipeline_mode<synchronous>, transform_indices = @transform_4, window_bounds = array<i64: 8, 128>}]} {
    %eq3A = arith.constant 0 : i32
    %eq3A_0 = arith.cmpi eq, %arg0, %eq3A : i32
    %convert_element_type3A = arith.extui %eq3A_0 : i1 to i32
    %cond3A = arith.constant 0 : i32
    %cond3A_1 = arith.cmpi ne, %convert_element_type3A, %cond3A : i32
    scf.if %cond3A_1 {
      %broadcast_in_dim3A_38 = arith.constant 0.000000e+00 : f32
      %broadcast_in_dim3A_39 = vector.broadcast %broadcast_in_dim3A_38 : f32 to vector<8x128xf32>
      %swap3A_40 = arith.constant 0 : index
      %swap3A_41 = arith.constant 0 : index
      %swap3A_42 = vector.load %arg6[%swap3A_40, %swap3A_41] : memref<8x128xf32, #tpu.memory_space<vmem>>, vector<8x128xf32>
      tpu.vector_store %arg6[%swap3A_40, %swap3A_41], %broadcast_in_dim3A_39 {strides = array<i32>} : memref<8x128xf32, #tpu.memory_space<vmem>>, vector<8x128xf32>,
      %broadcast_in_dim3A_43 = arith.constant 0.000000e+00 : f32
      %broadcast_in_dim3A_44 = vector.broadcast %broadcast_in_dim3A_43 : f32 to vector<8x128xf32>
      %swap3A_45 = arith.constant 0 : index
      %swap3A_46 = arith.constant 0 : index
      %swap3A_47 = vector.load %arg7[%swap3A_45, %swap3A_46] : memref<8x128xf32, #tpu.memory_space<vmem>>, vector<8x128xf32>
      tpu.vector_store %arg7[%swap3A_45, %swap3A_46], %broadcast_in_dim3A_44 {strides = array<i32>} : memref<8x128xf32, #tpu.memory_space<vmem>>, vector<8x128xf32>,
    } else {
    }
    %get3A = arith.constant 0 : index
    %get3A_2 = arith.constant 0 : index
    %get3A_3 = vector.load %arg1[%get3A, %get3A_2] : memref<1024x128xf32, #tpu.memory_space<vmem>>, vector<1024x128xf32>
    %get3A_4 = arith.constant 0 : index
    %get3A_5 = arith.constant 0 : index
    %get3A_6 = vector.load %arg3[%get3A_4, %get3A_5] : memref<1024x128xf32, #tpu.memory_space<vmem>>, vector<1024x128xf32>
    %mul3A = arith.mulf %get3A_3, %get3A_6 : vector<1024x128xf32>
    %gt3A = arith.constant 0.000000e+00 : f32
    %gt3A_7 = vector.broadcast %gt3A : f32 to vector<1024x128xf32>
    %gt3A_8 = arith.cmpf ogt, %mul3A, %gt3A_7 : vector<1024x128xf32>
    %get3A_9 = arith.constant 0 : index
    %get3A_10 = arith.constant 0 : index
    %get3A_11 = vector.load %arg2[%get3A_9, %get3A_10] : memref<1024x128xf32, #tpu.memory_space<vmem>>, vector<1024x128xf32>
    %sub3A = arith.subf %mul3A, %get3A_11 : vector<1024x128xf32>
    %abs3A = math.absf %sub3A : vector<1024x128xf32>
    %div3A = arith.divf %abs3A, %mul3A : vector<1024x128xf32>
    %jit3A = arith.constant 0.000000e+00 : f32
    %broadcast_in_dim3A = vector.broadcast %jit3A : f32 to vector<1024x128xf32>
    %select_n3A = arith.select %gt3A_8, %div3A, %broadcast_in_dim3A : vector<1024x128xi1>, vector<1024x128xf32>
    %reshape3A = vector.shape_cast %select_n3A : vector<1024x128xf32> to vector<128x8x128xf32>
    %jit3A_12 = arith.constant 1.000000e+00 : f32
    %jit3A_13 = arith.constant 0.000000e+00 : f32
    %broadcast_in_dim3A_14 = vector.broadcast %jit3A_12 : f32 to vector<1024x128xf32>
    %broadcast_in_dim3A_15 = vector.broadcast %jit3A_13 : f32 to vector<1024x128xf32>
    %select_n3A_16 = arith.select %gt3A_8, %broadcast_in_dim3A_14, %broadcast_in_dim3A_15 : vector<1024x128xi1>, vector<1024x128xf32>
    %reshape3A_17 = vector.shape_cast %select_n3A_16 : vector<1024x128xf32> to vector<128x8x128xf32>
    %get3A_18 = arith.constant 0 : index
    %get3A_19 = arith.constant 0 : index
    %get3A_20 = vector.load %arg6[%get3A_18, %get3A_19] : memref<8x128xf32, #tpu.memory_space<vmem>>, vector<8x128xf32>
    %reduce_sum3A = arith.constant dense<0.000000e+00> : vector<8x128xf32>
    %reduce_sum3A_21 = vector.multi_reduction <add>, %reshape3A, %reduce_sum3A [0] : vector<128x8x128xf32> to vector<8x128xf32>
    %add3A = arith.addf %get3A_20, %reduce_sum3A_21 : vector<8x128xf32>
    %swap3A = arith.constant 0 : index
    %swap3A_22 = arith.constant 0 : index
    %swap3A_23 = vector.load %arg6[%swap3A, %swap3A_22] : memref<8x128xf32, #tpu.memory_space<vmem>>, vector<8x128xf32>
    tpu.vector_store %arg6[%swap3A, %swap3A_22], %add3A {strides = array<i32>} : memref<8x128xf32, #tpu.memory_space<vmem>>, vector<8x128xf32>,
    %get3A_24 = arith.constant 0 : index
    %get3A_25 = arith.constant 0 : index
    %get3A_26 = vector.load %arg7[%get3A_24, %get3A_25] : memref<8x128xf32, #tpu.memory_space<vmem>>, vector<8x128xf32>
    %reduce_sum3A_27 = arith.constant dense<0.000000e+00> : vector<8x128xf32>
    %reduce_sum3A_28 = vector.multi_reduction <add>, %reshape3A_17, %reduce_sum3A_27 [0] : vector<128x8x128xf32> to vector<8x128xf32>
    %add3A_29 = arith.addf %get3A_26, %reduce_sum3A_28 : vector<8x128xf32>
    %swap3A_30 = arith.constant 0 : index
    %swap3A_31 = arith.constant 0 : index
    %swap3A_32 = vector.load %arg7[%swap3A_30, %swap3A_31] : memref<8x128xf32, #tpu.memory_space<vmem>>, vector<8x128xf32>
    tpu.vector_store %arg7[%swap3A_30, %swap3A_31], %add3A_29 {strides = array<i32>} : memref<8x128xf32, #tpu.memory_space<vmem>>, vector<8x128xf32>,
    %eq3A_33 = arith.constant 5 : i32
    %eq3A_34 = arith.cmpi eq, %arg0, %eq3A_33 : i32
    %convert_element_type3A_35 = arith.extui %eq3A_34 : i1 to i32
    %cond3A_36 = arith.constant 0 : i32
    %cond3A_37 = arith.cmpi ne, %convert_element_type3A_35, %cond3A_36 : i32
    scf.if %cond3A_37 {
      %get3A_38 = arith.constant 0 : index
      %get3A_39 = arith.constant 0 : index
      %get3A_40 = vector.load %arg6[%get3A_38, %get3A_39] : memref<8x128xf32, #tpu.memory_space<vmem>>, vector<8x128xf32>
      %swap3A_41 = arith.constant 0 : index
      %swap3A_42 = arith.constant 0 : index
      %swap3A_43 = vector.load %arg4[%swap3A_41, %swap3A_42] : memref<8x128xf32, #tpu.memory_space<vmem>>, vector<8x128xf32>
      tpu.vector_store %arg4[%swap3A_41, %swap3A_42], %get3A_40 {strides = array<i32>} : memref<8x128xf32, #tpu.memory_space<vmem>>, vector<8x128xf32>,
      %get3A_44 = arith.constant 0 : index
      %get3A_45 = arith.constant 0 : index
      %get3A_46 = vector.load %arg7[%get3A_44, %get3A_45] : memref<8x128xf32, #tpu.memory_space<vmem>>, vector<8x128xf32>
      %swap3A_47 = arith.constant 0 : index
      %swap3A_48 = arith.constant 0 : index
      %swap3A_49 = vector.load %arg5[%swap3A_47, %swap3A_48] : memref<8x128xf32, #tpu.memory_space<vmem>>, vector<8x128xf32>
      tpu.vector_store %arg5[%swap3A_47, %swap3A_48], %get3A_46 {strides = array<i32>} : memref<8x128xf32, #tpu.memory_space<vmem>>, vector<8x128xf32>,
    } else {
    }
    return
  }
  func.func @transform_0(%arg0: i32) -> (i32, i32) {
    %add3A = arith.constant 2 : i32
    %add3A_0 = arith.addi %add3A, %arg0 : i32
    %c0_i32 = arith.constant 0 : i32
    %c0_i32_1 = arith.constant 0 : i32
    return %add3A_0, %c0_i32 : i32, i32
  }
  func.func @transform_1(%arg0: i32) -> (i32, i32) {
    %add3A = arith.constant 2 : i32
    %add3A_0 = arith.addi %add3A, %arg0 : i32
    %c0_i32 = arith.constant 0 : i32
    %c0_i32_1 = arith.constant 0 : i32
    return %add3A_0, %c0_i32 : i32, i32
  }
  func.func @transform_2(%arg0: i32) -> (i32, i32) {
    %add3A = arith.constant 2 : i32
    %add3A_0 = arith.addi %add3A, %arg0 : i32
    %c0_i32 = arith.constant 0 : i32
    %c0_i32_1 = arith.constant 0 : i32
    return %add3A_0, %c0_i32 : i32, i32
  }
  func.func @transform_3(%arg0: i32) -> (i32, i32) {
    %c0_i32 = arith.constant 0 : i32
    %c0_i32_0 = arith.constant 0 : i32
    %c0_i32_1 = arith.constant 0 : i32
    return %c0_i32, %c0_i32_0 : i32, i32
  }
  func.func @transform_4(%arg0: i32) -> (i32, i32) {
    %c0_i32 = arith.constant 0 : i32
    %c0_i32_0 = arith.constant 0 : i32
    %c0_i32_1 = arith.constant 0 : i32
    return %c0_i32, %c0_i32_0 : i32, i32
  }
}

</mosaic_0001>

<sc_bundles>
// kernel: kernel.5.cloned.1.call-start
scs
__scs_entry_jumppad:
0x0: {  	(pc) =	sbr.rel $0x88, $3  }
0x1: {  	(tag) =	ssettag $0x0;
	lr =	simm.s32 $0x1  }
0x2: {  	[smem:$0x3F9E] =	sst lr;
	_ =	strace $0xD0000000  }
0x3: {  	_ = 	snop  }
0x4: {  	_ = 	snop  }
0x5: {  	_ = 	snop  }
0x6: {  	_ = 	snop  }
0x7: {  	_ = 	snop  }
__scs_overlays_trampoline_lowered:
0x8: {  	[smem:$0x3FAD] =	sst s0  }
0x9: {  	[smem:$0x3FAE] =	sst s1  }
0xa: {  	[smem:$0x3FAF] =	sst s2  }
0xb: {  	[smem:$0x3FB0] =	sst s3  }
0xc: {  	[smem:$0x3FB1] =	sst s4  }
0xd: {  	[smem:$0x3FB2] =	sst s5  }
0xe: {  	[smem:$0x3FB3] =	sst s6  }
0xf: {  	[smem:$0x3FB4] =	sst s7  }
0x10: {  	[smem:$0x3FB5] =	sst s8  }
0x11: {  	[smem:$0x3FB6] =	sst s9;
	s0 =	simm.s32 @!p0 $0x0  }
0x12: {  	s1 =	sld [smem:$0x3F9C];
	s0 =	simm.s32 @p0 $0x1  }
0x13: {  	[smem:$0x3FB7] =	sst s0;
	s0 =	simm.s32 @!p1 $0x0  }
0x14: {  	s2 =	sld [smem:$0x3F9B];
	s0 =	simm.s32 @p1 $0x1  }
0x15: {  	[smem:$0x3FB8] =	sst s0;
	s0 =	simm.s32 @!p2 $0x0  }
0x16: {  	s3 =	sld [smem:$0x3FDB];
	s0 =	simm.s32 @p2 $0x1  }
0x17: {  	s4 =	simm.s32 $0x1BF5;
	[smem:$0x3FBA] =	sst s0  }
0x18: {  	s0 =	sld [smem:$0x3F9D];
	_ =	swait.ge [sflag:s4], $0x0  }
0x19: {  	s7 =	sld [smem:$0x3F9E]  }
0x1a: {  	s8 =	sadd.s32 $0xFFFFE003, lr  }
0x1b: {  	s9 =	sadd.s32 $0xFFFFFEF7, lr;
	s5 =	simm.s32 $0xFFFFFFFF;
	p2 =	slt.u32 s8, $0xFFFFF086  }
0x1c: {  	p1 =	slt.u32 s9, $0xF7A;
	s5 =	simm.s32 @!p2 $0x0  }
0x1d: {  	s5 =	simm.s32 @p1 $0x1;
	p0 =	seq.s32 s7, s2  }
0x1e: {  	s7 =	smul.u32 @!p0 $0xF7A, s2;
	p2 =	seq.s32 @!p0 s5, $0x0  }
0x1f: {  	s9 =	smul.u32 $0xF7A, s1;
	s8 =	simm.s32 @!p0 $0x1BF5;
	p2 =	por !p2, p0  }
0x20: {  	[sflag:s8] =	ssyncset.s32 @!p0 $0xFFFFF086;
	s6 =	sadd.s32 @!p0 s3, s7;
	s7 =	simm.s32 @!p0 $0x108  }
0x21: {  	s3 =	sadd.s32 s3, s9;
	s6 =	sadd.s32 @!p0 $0x88, s6;
	s7 =	simm.s32 @p2 $0x1082  }
0x22: {  	[simem:s7], [sflag:s8] =	dma.local @!p0 [hbm:s6], $0xF7A  }
0x23: {  	s9 =	sor.u32 $0xD0000000, s2;
	s6 =	simm.s32 $0x108;
	_ =	swait.ge @!p0 [sflag:s8], $0x0  }
0x24: {  	s3 =	sadd.s32 $0x88, s3;
	s6 =	simm.s32 @!p1 $0x1082;
	[sflag:s4] =	ssyncset.s32 $0xFFFFF086  }
0x25: {  	[simem:s6], [sflag:s4] =	dma.local [hbm:s3], $0xF7A  }
0x26: {  	[smem:$0x3F9E] =	sst s1;
	(tag) =	ssettag s2;
	_ =	strace s9  }
0x27: {  	s1 =	sld [smem:$0x3FAE]  }
0x28: {  	s2 =	sld [smem:$0x3FAF]  }
0x29: {  	s4 =	sld [smem:$0x3FB1]  }
0x2a: {  	p0 =	seq.s32 s5, $0x0;
	s5 =	sld [smem:$0x3FB2]  }
0x2b: {  	s6 =	sld [smem:$0x3FB3]  }
0x2c: {  	s7 =	sld [smem:$0x3FB4]  }
0x2d: {  	s3 =	simm.s32 $0x108;
	s8 =	sld [smem:$0x3FB5]  }
0x2e: {  	s3 =	simm.s32 @!p0 $0x1082;
	s9 =	sld [smem:$0x3FB6]  }
0x2f: {  	lr =	sadd.s32 s0, s3;
	s0 =	sld [smem:$0x3FAD]  }
0x30: {  	s3 =	sld [smem:$0x3FB0]  }
0x31: {  	[smem:$0x3FB9] =	sst s10  }
0x32: {  	s10 =	sld [smem:$0x3FB7];
	_ =	sdelay $0x3  }
0x33: {  	p0 =	seq.s32 s10, $0x1;
	s10 =	sld [smem:$0x3FB9];
	_ =	sdelay $0x3  }
0x34: {  	[smem:$0x3FB9] =	sst s10  }
0x35: {  	s10 =	sld [smem:$0x3FB8];
	_ =	sdelay $0x3  }
0x36: {  	p1 =	seq.s32 s10, $0x1;
	s10 =	sld [smem:$0x3FB9];
	_ =	sdelay $0x3  }
0x37: {  	[smem:$0x3FB9] =	sst s10  }
0x38: {  	s10 =	sld [smem:$0x3FBA]  }
0x39: {  	_ = 	snop;
	(pc) =	sbr.ind lr, $3  }
0x3a: {  	_ = 	snop  }
0x3b: {  	_ = 	snop  }
0x3c: {  	p2 =	seq.s32 s10, $0x1;
	s10 =	sld [smem:$0x3FB9]  }
0x3d: {  	_ =	shalt  }
0x3e: {  	_ =	shalt  }
0x3f: {  	_ =	shalt  }
0x40: {  	_ =	shalt  }
0x41: {  	_ =	shalt  }
0x42: {  	_ =	shalt  }
0x43: {  	_ =	shalt  }
0x44: {  	_ =	shalt  }
0x45: {  	_ =	shalt  }
0x46: {  	_ =	shalt  }
0x47: {  	_ =	shalt  }
0x48: {  	_ =	shalt  }
0x49: {  	_ =	shalt  }
0x4a: {  	_ =	shalt  }
0x4b: {  	_ =	shalt  }
0x4c: {  	_ =	shalt  }
0x4d: {  	_ =	shalt  }
0x4e: {  	_ =	shalt  }
0x4f: {  	_ =	shalt  }
0x50: {  	_ =	shalt  }
0x51: {  	_ =	shalt  }
0x52: {  	_ =	shalt  }
0x53: {  	_ =	shalt  }
0x54: {  	_ =	shalt  }
0x55: {  	_ =	shalt  }
0x56: {  	_ =	shalt  }
0x57: {  	_ =	shalt  }
0x58: {  	_ =	shalt  }
0x59: {  	_ =	shalt  }
0x5a: {  	_ =	shalt  }
0x5b: {  	_ =	shalt  }
0x5c: {  	_ =	shalt  }
0x5d: {  	_ =	shalt  }
0x5e: {  	_ =	shalt  }
0x5f: {  	_ =	shalt  }
0x60: {  	_ =	shalt  }
0x61: {  	_ =	shalt  }
0x62: {  	_ =	shalt  }
0x63: {  	_ =	shalt  }
0x64: {  	_ =	shalt  }
0x65: {  	_ =	shalt  }
0x66: {  	_ =	shalt  }
0x67: {  	_ =	shalt  }
0x68: {  	_ =	shalt  }
0x69: {  	_ =	shalt  }
0x6a: {  	_ =	shalt  }
0x6b: {  	_ =	shalt  }
0x6c: {  	_ =	shalt  }
0x6d: {  	_ =	shalt  }
0x6e: {  	_ =	shalt  }
0x6f: {  	_ =	shalt  }
0x70: {  	_ =	shalt  }
0x71: {  	_ =	shalt  }
0x72: {  	_ =	shalt  }
0x73: {  	_ =	shalt  }
0x74: {  	_ =	shalt  }
0x75: {  	_ =	shalt  }
0x76: {  	_ =	shalt  }
0x77: {  	_ =	shalt  }
0x78: {  	_ =	shalt  }
0x79: {  	_ =	shalt  }
0x7a: {  	_ =	shalt  }
0x7b: {  	_ =	shalt  }
0x7c: {  	_ =	shalt  }
0x7d: {  	_ =	shalt  }
0x7e: {  	_ =	shalt  }
0x7f: {  	_ =	shalt  }
0x80: {  	_ =	shalt  }
0x81: {  	_ =	shalt  }
0x82: {  	_ =	shalt  }
0x83: {  	_ =	shalt  }
0x84: {  	_ =	shalt  }
0x85: {  	_ =	shalt  }
0x86: {  	_ =	shalt  }
0x87: {  	_ =	shalt  }
.Lfunc_end0:
.L_simem_size_0:
called_computation_lowered:
.L_overlay_start_0:
0x88: {  	s2 =	sld [smem:$0x3FD9]  }
0x89: {  	s3 =	sld [smem:$0x3FFE];
	_ =	sdelay $0x1  }
0x8a: {  	s1 =	srdreg.scid  }
0x8b: {  	s0 =	sand.u32 $0x1, s1  }
0x8c: {  	s17 =	sshll.u32 s0, $0xA;
	s2 =	sadd.s32 s3, s2  }
0x8d: {  	s2 =	sadd.s32 s2, s17  }
0x8e: {  	[smem:$0x3FC5] =	sst s2  }
0x8f: {  	_ = 	snop  }
0x90: {  	s2 =	sld [smem:$0x3FC9]  }
0x91: {  	s18 =	sld [smem:$0x3FC8]  }
0x92: {  	s4 =	sld [smem:$0x3FC7];
	(tm) =	ssettm $0x1  }
0x93: {  	s5 =	sld [smem:$0x3FFB];
	_ =	sdelay $0x3  }
0x94: {  	_ =	strace s5  }
0x95: {  	s5 =	sld [smem:$0x3FFC];
	_ =	sdelay $0x3  }
0x96: {  	_ =	strace s5  }
0x97: {  	s5 =	sld [smem:$0x3FFD];
	_ =	sdelay $0x3  }
0x98: {  	_ =	strace s5  }
0x99: {  	_ =	strace $0x8FFFFFFF  }
0x9a: {  	s19 =	sld [smem:$0x3FDB];
	_ =	sdelay $0x1  }
0x9b: {  	s6 =	simm.s32 $_scs_section_size  }
0x9c: {  	s7 =	simm.s32 $_size__tile_overlayer_lowered;
	s8 =	simm.s32 $_tile_overlayer_lowered  }
0x9d: {  	s22 =	simm.s32 $0x1BFF;
	s21 =	sshll.u32 s8, $0x1;
	s5 =	sadd.s32 s6, s19  }
0x9e: {  	s9 =	simm.s32 $0x0;
	s20 =	sshll.u32 s7, $0x1;
	s7 =	sadd.s32 s21, s5  }
0x9f: {  	[timem:s9], [sflag:s22] =	dma.local [hbm:s7], s20  }
0xa0: {  	_ =	swait.ge [sflag:s22], s20  }
0xa1: {  	s6 =	ssub.s32 $0x0, s20;
	[sflag:s22] =	ssyncset.done $0x0  }
0xa2: {  	[sflag:s22] =	ssyncadd.s32 s6;
	_ =	sdelay $0x1  }
0xa3: {  	s23 =	simm.s32 $0x1B8B  }
0xa4: {  	_ =	swait.ge [sflag:s23], $0x1  }
0xa5: {  	[sflag:s23] =	ssyncset.done $0x0  }
0xa6: {  	s25 =	simm.s32 $0x1B8E;
	s24 =	sld [smem:$0x3FFE];
	[sflag:s23] =	ssyncadd.s32 $0xFFFFFFFF  }
0xa7: {  	s26 =	simm.s32 $execute0_lowered;
	[smem:$0x3FD2] =	sst s25  }
0xa8: {  	s7 =	sshll.u32 s26, $0x1;
	_ =	strace $0x80000046;
	[dreg:$0x1] =	wrdreg $0xFFFFFFFF  }
0xa9: {  	s28 =	simm.s32 $_size_execute0_lowered;
	s5 =	sadd.s32 s5, s7;
	[dreg:$0x0] =	wrdreg $0x0  }
0xaa: {  	s7 =	sshll.u32 s28, $0x1;
	[dreg:$0x2] =	wrdreg s5  }
0xab: {  	[dreg:$0x3] =	wrdreg s7  }
0xac: {  	[dreg:$0x4] =	wrdreg $0xC0  }
0xad: {  	_ =	task [dreg:s9], $0x5FFFF  }
0xae: {  	[dreg:$0x1] =	wrdreg $0xFFFFFFFF  }
0xaf: {  	[dreg:$0x0] =	wrdreg $0x60  }
0xb0: {  	[dreg:$0x2] =	wrdreg s2  }
0xb1: {  	[dreg:$0x3] =	wrdreg s18  }
0xb2: {  	[dreg:$0x4] =	wrdreg s4  }
0xb3: {  	[dreg:$0x5] =	wrdreg s24  }
0xb4: {  	[dreg:$0x6] =	wrdreg $0x9  }
0xb5: {  	_ =	task.clear_ibuf [dreg:s9], $0x7FFFF;
	_ =	strace $0x90000046  }
0xb6: {  	s29 =	simm.s32 $0x9;
	_ =	strace $0x80000048  }
0xb7: {  	_ =	swait.ge [sflag:s29], $0x1  }
0xb8: {  	[sflag:s29] =	ssyncadd.s32 $0xFFFFFFFF  }
0xb9: {  	_ =	strace $0x90000048  }
0xba: {  	_ =	sfence  }
0xbb: {  	s30 =	sld [smem:$0x0];
	_ =	sdelay $0x2  }
0xbc: {  	s31 =	sshll.u32 s1, $0xD;
	s1 =	sshrl.u32 s1, $0x2  }
0xbd: {  	s3 =	sand.u32 $0x4000, s31;
	s1 =	sadd.s32 s1, s30  }
0xbe: {  	s0 =	sor.u32 s3, s0;
	s1 =	sshll.u32 s1, $0x11  }
0xbf: {  	s0 =	sor.u32 s1, s0  }
0xc0: {  	s0 =	sadd.s32 $0x8F2B, s0  }
0xc1: {  	[sflag:s0] =	ssyncadd.remote.s32 $0x1  }
0xc2: {  	_ =	sfence.sel $0xFFFF  }
0xc3: {  	[dreg:$0x0] =	wrdreg $0xFFFFFFFF;
	(pc) =	sbr.abs _section_cstart, $3  }
0xc4: {  	[dreg:$0x1] =	wrdreg $0xFFFFFFFF  }
0xc5: {  	_ =	task.clear_ibuf [dreg:s9], $0x2FFFF;
	_ =	strace $0x9FFFFFFF  }
0xc6: {  	(tm) =	ssettm $0x7FFFFFFF  }
0xc7: {  	_ =	shalt  }
tec
execute0_lowered:
.L_overlay_start_1:
0x0: {  	(tag) =	ssettag $0x1  }
0x1: {  	s6 =	rddreg [dreg:$0x0]  }
0x2: {  	s7 =	rddreg [dreg:$0x1]  }
0x3: {  	s8 =	rddreg [dreg:$0x2]  }
0x4: {  	s3 =	rddreg [dreg:$0x3]  }
0x5: {  	s0 =	rddreg [dreg:$0x4];
	s4 =	srdreg.scid  }
0x6: {  	s1 =	stileid.u32;
	s2 =	simm.s32 $0x0;
	s14 =	simm.s32 $0x6000  }
0x7: {  	s15 =	simm.s32 $0x3;
	s16 =	simm.s32 $0x6080;
	s17 =	simm.s32 $0x0  }
0x8: {  	s4 =	sand.u32 $0x1, s4;
	s5 =	sshll.u32 s1, $0x1;
	[smem:$0x7FF] =	sst s2  }
0x9: {  	s9 =	sshll.u32 s1, $0x2;
	s5 =	sor.u32 s4, s5;
	_ =	strace $0x80000047  }
0xa: {  	s9 =	sand.u32 $0x30, s9;
	s4 =	ssub.s32 $0x2, s4;
	s10 =	sshll.u32 s5, $0x1  }
0xb: {  	s30 =	sshrl.u32 s4, $0x1;
	s11 =	sshll.u32 s5, $0xA;
	s10 =	sand.u32 $0xE, s10  }
0xc: {  	s13 =	ssub.s32 s4, s30;
	s4 =	sadd.s32 s7, s11;
	s31 =	sor.u32 $0x200, s11  }
0xd: {  	s5 =	sadd.s32 s8, s11;
	s9 =	sor.u32 s9, s10;
	s7 =	sadd.s32 s7, s31  }
0xe: {  	s8 =	sadd.s32 s8, s31;
	s12 =	sadd.s32 s9, s3;
	s3 =	sadd.s32 s6, s11  }
0xf: {  	s6 =	sadd.s32 s6, s31;
	s11 =	smax.u32 s13, $0x1;
	s13 =	simm.s32 $0x2  }
0x10: {  	v0 =	vimm.f32 $0.0e+00;
	s9 =	sadd.s32 $0x1400, s12;
	s10 =	sadd.s32 $0x1600, s12;
	s12 =	simm.s32 $0x1  }
.LBB2_1:
0x11: {  	s18 =	simm.s32 $0x10  }
0x12: {  	s21 =	sadd.s32 $0x0, s3;
	s19 =	simm.s32 $0x100;
	s20 =	simm.s32 $0x0  }
.LBB2_2:
0x13: {  	[tilespmem:s20], [sflag:$0x1] =	stream.linear.gather [hbm4b:s21+s2], $0x80, $0x38;
	[tilespmem:$0x6100] =	vst v63  }
0x14: {  	s21 =	smov.u32 s18;
	s20 =	smov.u32 s19;
	p0 =	sne.s32 s18, $0x1F0  }
.Ltmp0:
0x15: {  	s18 =	sadd.s32 $0x10, s18;
	(pc) =	sbr.rel @p0 .LBB2_2-.Ltmp0, $2  }
0x16: {  	_ =	sdelay $0x2  }
0x17: {  	s19 =	sadd.s32 $0x100, s19;
	s21 =	sadd.s32 s21, s3  }
0x18: {  	[tilespmem:s20], [sflag:$0x1] =	stream.linear.gather [hbm4b:s21+s2], $0x80, $0x38;
	[tilespmem:$0x6100] =	vst v63  }
0x19: {  	s18 =	simm.s32 $0x2000  }
0x1a: {  	s19 =	simm.s32 $0x10;
	s21 =	sadd.s32 $0x0, s4;
	s20 =	simm.s32 $0x2100  }
.LBB2_4:
0x1b: {  	[tilespmem:s18], [sflag:$0x1] =	stream.linear.gather [hbm4b:s21+s2], $0x80, $0x38;
	[tilespmem:$0x6100] =	vst v63  }
0x1c: {  	s21 =	smov.u32 s19;
	s18 =	smov.u32 s20;
	p0 =	sne.s32 s19, $0x1F0  }
.Ltmp1:
0x1d: {  	s19 =	sadd.s32 $0x10, s19;
	(pc) =	sbr.rel @p0 .LBB2_4-.Ltmp1, $2  }
0x1e: {  	_ =	sdelay $0x2  }
0x1f: {  	s20 =	sadd.s32 $0x100, s20;
	s21 =	sadd.s32 s21, s4  }
0x20: {  	[tilespmem:s18], [sflag:$0x1] =	stream.linear.gather [hbm4b:s21+s2], $0x80, $0x38;
	[tilespmem:$0x6100] =	vst v63  }
0x21: {  	s18 =	simm.s32 $0x4000  }
0x22: {  	s19 =	simm.s32 $0x10;
	s21 =	sadd.s32 $0x0, s5;
	s20 =	simm.s32 $0x4100  }
.LBB2_6:
0x23: {  	[tilespmem:s18], [sflag:$0x1] =	stream.linear.gather [hbm4b:s21+s2], $0x80, $0x38;
	[tilespmem:$0x6100] =	vst v63  }
0x24: {  	s21 =	smov.u32 s19;
	s18 =	smov.u32 s20;
	p0 =	sne.s32 s19, $0x1F0  }
.Ltmp2:
0x25: {  	s19 =	sadd.s32 $0x10, s19;
	(pc) =	sbr.rel @p0 .LBB2_6-.Ltmp2, $2  }
0x26: {  	_ =	sdelay $0x2  }
0x27: {  	s20 =	sadd.s32 $0x100, s20;
	s21 =	sadd.s32 s21, s5  }
0x28: {  	[tilespmem:s18], [sflag:$0x1] =	stream.linear.gather [hbm4b:s21+s2], $0x80, $0x38;
	[tilespmem:$0x6100] =	vst v63  }
0x29: {  	s18 =	simm.s32 $0x80  }
0x2a: {  	s19 =	simm.s32 $0x10;
	s21 =	sadd.s32 $0x0, s6;
	s20 =	simm.s32 $0x180  }
.LBB2_8:
0x2b: {  	[tilespmem:s18], [sflag:$0x2] =	stream.linear.gather [hbm4b:s21+s2], $0x80, $0x38;
	[tilespmem:$0x6100] =	vst v63  }
0x2c: {  	s21 =	smov.u32 s19;
	s18 =	smov.u32 s20;
	p0 =	sne.s32 s19, $0x1F0  }
.Ltmp3:
0x2d: {  	s19 =	sadd.s32 $0x10, s19;
	(pc) =	sbr.rel @p0 .LBB2_8-.Ltmp3, $2  }
0x2e: {  	_ =	sdelay $0x2  }
0x2f: {  	s20 =	sadd.s32 $0x100, s20;
	s21 =	sadd.s32 s21, s6  }
0x30: {  	[tilespmem:s18], [sflag:$0x2] =	stream.linear.gather [hbm4b:s21+s2], $0x80, $0x38;
	[tilespmem:$0x6100] =	vst v63  }
0x31: {  	s18 =	simm.s32 $0x2080  }
0x32: {  	s19 =	simm.s32 $0x10;
	s21 =	sadd.s32 $0x0, s7;
	s20 =	simm.s32 $0x2180  }
.LBB2_10:
0x33: {  	[tilespmem:s18], [sflag:$0x2] =	stream.linear.gather [hbm4b:s21+s2], $0x80, $0x38;
	[tilespmem:$0x6100] =	vst v63  }
0x34: {  	s21 =	smov.u32 s19;
	s18 =	smov.u32 s20;
	p0 =	sne.s32 s19, $0x1F0  }
.Ltmp4:
0x35: {  	s19 =	sadd.s32 $0x10, s19;
	(pc) =	sbr.rel @p0 .LBB2_10-.Ltmp4, $2  }
0x36: {  	_ =	sdelay $0x2  }
0x37: {  	s20 =	sadd.s32 $0x100, s20;
	s21 =	sadd.s32 s21, s7  }
0x38: {  	[tilespmem:s18], [sflag:$0x2] =	stream.linear.gather [hbm4b:s21+s2], $0x80, $0x38;
	[tilespmem:$0x6100] =	vst v63  }
0x39: {  	s18 =	simm.s32 $0x4080  }
0x3a: {  	s19 =	simm.s32 $0x10;
	s21 =	sadd.s32 $0x0, s8;
	s20 =	simm.s32 $0x4180  }
.LBB2_12:
0x3b: {  	[tilespmem:s18], [sflag:$0x2] =	stream.linear.gather [hbm4b:s21+s2], $0x80, $0x38;
	[tilespmem:$0x6100] =	vst v63  }
0x3c: {  	s21 =	smov.u32 s19;
	s18 =	smov.u32 s20;
	p0 =	sne.s32 s19, $0x1F0  }
.Ltmp5:
0x3d: {  	s19 =	sadd.s32 $0x10, s19;
	(pc) =	sbr.rel @p0 .LBB2_12-.Ltmp5, $2  }
0x3e: {  	_ =	sdelay $0x2  }
0x3f: {  	s20 =	sadd.s32 $0x100, s20;
	s21 =	sadd.s32 s21, s8  }
0x40: {  	[tilespmem:s18], [sflag:$0x2] =	stream.linear.gather [hbm4b:s21+s2], $0x80, $0x38;
	[tilespmem:$0x6100] =	vst v63  }
0x41: {  	_ =	swait.ge [sflag:s12], $0x1000  }
0x42: {  	[sflag:s12] =	ssyncset.done $0x0  }
0x43: {  	[sflag:s12] =	ssyncadd.s32 $0xFFFFF000  }
0x44: {  	_ =	swait.ge [sflag:s12], $0x1000  }
0x45: {  	[sflag:s12] =	ssyncset.done $0x0  }
0x46: {  	[sflag:s12] =	ssyncadd.s32 $0xFFFFF000  }
0x47: {  	s28 =	simm.s32 $0x0;
	s19 =	simm.s32 $0x0;
	_ =	swait.ge [sflag:s12], $0x1000  }
0x48: {  	s19 =	sand.u32 $0x60, s19;
	s18 =	sand.u32 $0x1F00, s28;
	[sflag:s12] =	ssyncset.done $0x0  }
0x49: {  	s18 =	sor.u32 s19, s18;
	[sflag:s12] =	ssyncadd.s32 $0xFFFFF000  }
0x4a: {  	v1 =	vld [tilespmem:s18+$0x10]  }
0x4b: {  	v2 =	vld [tilespmem:s18+$0x4010];
	_ =	sdelay $0x1  }
0x4c: {  	s29 =	simm.s32 $0x20;
	s20 =	simm.s32 $0x40;
	v3 =	vld [tilespmem:s18+$0x0]  }
0x4d: {  	s20 =	sand.u32 $0x1F00, s20;
	s19 =	sand.u32 $0x60, s29;
	v4 =	vld [tilespmem:s18+$0x4000]  }
0x4e: {  	s30 =	sor.u32 s19, s20;
	v5 =	vld [tilespmem:s18+$0x2000]  }
0x4f: {  	v6 =	vld [tilespmem:s30+$0x4010];
	v1 =	vmul.f32 v2, v1  }
0x50: {  	v7 =	vld [tilespmem:s30+$0x0]  }
0x51: {  	v2 =	vld [tilespmem:s30+$0x10];
	(erf) = vrcp.f32 v1  }
0x52: {  	v10 =	vld [tilespmem:s30+$0x4000];
	v4 =	vmul.f32 v4, v3  }
0x53: {  	v9 =	vld [tilespmem:s18+$0x2010]  }
0x54: {  	s20 =	simm.s32 $0x80;
	s18 =	simm.s32 $0x40;
	(erf) = vrcp.f32 v4  }
0x55: {  	s22 =	sand.u32 $0x1F00, s20;
	s31 =	sand.u32 $0x60, s18  }
0x56: {  	v8 =	vld [tilespmem:s30+$0x2000];
	s19 =	sor.u32 s31, s22;
	v2 =	vmul.f32 v6, v2  }
0x57: {  	v11 =	vld [tilespmem:s19+$0x10];
	v3 =	vimm.f32 $0.0e+00;
	v10 =	vmul.f32 v10, v7;
	v5 =	vsub.f32 v4, v5  }
0x58: {  	v13 =	vld [tilespmem:s19+$0x4010];
	vm0 =	vgt.f32 v4, $0.0e+00;
	v6 =	vsub.f32 v1, v9;
	(erf) = vrcp.f32 v2  }
0x59: {  	v12 =	vld [tilespmem:s19+$0x0];
	v7 =	vimm.f32 $0.0e+00;
	v4 =	vsel vm0, $0x3F800000, v0;
	v5 =	vand.u32 $0x7FFFFFFF, v5  }
0x5a: {  	v4 =	vadd.f32 v4, v3;
	v9 =	vld [tilespmem:s30+$0x2010];
	v14 =	vand.u32 $0x7FFFFFFF, v6;
	v6 =	vimm.f32 $0.0e+00;
	v15 =	vpop (erf)  }
.LBB2_14:
0x5b: {  	s18 =	sadd.s32 $0x20, s18;
	v16 =	vld [tilespmem:s19+$0x4000];
	s20 =	sadd.s32 $0x40, s20;
	v17 =	vsub.f32 v10, v8;
	(erf) = vrcp.f32 v10;
	v15 =	vmul.f32 v14, v15  }
0x5c: {  	vm1 =	vgt.f32 v1, $0.0e+00;
	v1 =	vmovc v2;
	vm2 =	vmmov vm0;
	vm0 =	vgt.f32 v10, $0.0e+00;
	s21 =	sand.u32 $0x60, s18;
	s22 =	sand.u32 $0x1F00, s20;
	p0 =	slt.u32 s18, $0xFE0;
	v8 =	vld [tilespmem:s19+$0x2000]  }
.Ltmp6:
0x5d: {  	s21 =	sor.u32 s21, s22;
	v2 =	vmul.f32 v13, v11;
	v10 =	vand.u32 $0x7FFFFFFF, v17;
	v13 =	vnsel vm1, $0x0, v15;
	v14 =	vpop (erf);
	(pc) =	sbr.rel @p0 .LBB2_14-.Ltmp6, $4  }
0x5e: {  	v15 =	vsel vm0, $0x3F800000, v0;
	v11 =	vld [tilespmem:s21+$0x10];
	v14 =	vmul.f32 v5, v14;
	v3 =	vadd.f32 v13, v3;
	v5 =	vmovc v10  }
0x5f: {  	v18 =	vsel vm1, $0x3F800000, v0;
	v13 =	vld [tilespmem:s21+$0x4010];
	(erf) = vrcp.f32 v2;
	v17 =	vsub.f32 v1, v9  }
0x60: {  	v4 =	vadd.f32 v15, v4;
	v10 =	vmul.f32 v16, v12;
	v12 =	vld [tilespmem:s21+$0x0];
	v16 =	vnsel vm2, $0x0, v14  }
0x61: {  	v7 =	vadd.f32 v18, v7;
	v9 =	vld [tilespmem:s19+$0x2010];
	v14 =	vand.u32 $0x7FFFFFFF, v17;
	v15 =	vpop (erf);
	v6 =	vadd.f32 v16, v6;
	s19 =	smov.u32 s21  }
0x62: {  	v16 =	vld [tilespmem:s19+$0x4000];
	_ =	sdelay $0x3  }
0x63: {  	v11 =	vmul.f32 v13, v11  }
0x64: {  	(erf) = vrcp.f32 v10;
	v12 =	vmul.f32 v16, v12  }
0x65: {  	(erf) = vrcp.f32 v11  }
0x66: {  	(erf) = vrcp.f32 v12;
	_ =	sdelay $0x4  }
0x67: {  	v13 =	vpop (erf)  }
0x68: {  	v16 =	vpop (erf)  }
0x69: {  	v17 =	vpop (erf)  }
0x6a: {  	v19 =	vpop (erf)  }
0x6b: {  	v18 =	vld [tilespmem:s19+$0x2000];
	v21 =	vpop (erf)  }
0x6c: {  	v20 =	vld [tilespmem:s19+$0x2010];
	_ =	swait.ge [sflag:s13], $0x1000  }
0x6d: {  	[sflag:s13] =	ssyncset.done $0x0  }
0x6e: {  	[sflag:s13] =	ssyncadd.s32 $0xFFFFF000  }
0x6f: {  	_ =	swait.ge [sflag:s13], $0x1000  }
0x70: {  	[sflag:s13] =	ssyncset.done $0x0  }
0x71: {  	v14 =	vmul.f32 v14, v15;
	[sflag:s13] =	ssyncadd.s32 $0xFFFFF000  }
0x72: {  	s18 =	simm.s32 $0x0;
	s29 =	simm.s32 $0x0;
	vm2 =	vgt.f32 v1, $0.0e+00;
	_ =	swait.ge [sflag:s13], $0x1000  }
0x73: {  	v8 =	vsub.f32 v10, v8;
	s19 =	sand.u32 $0x60, s29;
	s18 =	sand.u32 $0x1F00, s18;
	v1 =	vnsel vm2, $0x0, v14;
	[sflag:s13] =	ssyncset.done $0x0  }
0x74: {  	vm1 =	vgt.f32 v10, $0.0e+00;
	s18 =	sor.u32 s19, s18;
	v3 =	vadd.f32 v1, v3;
	v1 =	vsub.f32 v2, v9;
	[sflag:s13] =	ssyncadd.s32 $0xFFFFF000  }
0x75: {  	vm0 =	vmmov vm0;
	v5 =	vmul.f32 v5, v13;
	v13 =	vsel vm1, $0x3F800000, v0;
	v10 =	vld [tilespmem:s18+$0x90]  }
0x76: {  	v4 =	vadd.f32 v13, v4;
	v13 =	vsel vm2, $0x3F800000, v0;
	v1 =	vand.u32 $0x7FFFFFFF, v1;
	v9 =	vld [tilespmem:s18+$0x4090]  }
0x77: {  	vm2 =	vgt.f32 v2, $0.0e+00;
	v5 =	vnsel vm0, $0x0, v5;
	v1 =	vmul.f32 v1, v16  }
0x78: {  	s30 =	simm.s32 $0x20;
	s20 =	simm.s32 $0x40;
	v5 =	vadd.f32 v5, v6;
	v6 =	vadd.f32 v13, v7;
	v7 =	vand.u32 $0x7FFFFFFF, v8;
	v2 =	vld [tilespmem:s18+$0x80]  }
0x79: {  	s20 =	sand.u32 $0x1F00, s20;
	s19 =	sand.u32 $0x60, s30;
	v8 =	vsub.f32 v12, v18;
	vm0 =	vgt.f32 v12, $0.0e+00;
	v12 =	vnsel vm2, $0x0, v1;
	v13 =	vld [tilespmem:s18+$0x4080]  }
0x7a: {  	s21 =	sor.u32 s19, s20;
	v7 =	vmul.f32 v7, v17;
	v3 =	vadd.f32 v12, v3  }
0x7b: {  	v12 =	vsel vm0, $0x3F800000, v0;
	v14 =	vld [tilespmem:s21+$0x90];
	v1 =	vmul.f32 v9, v10;
	v9 =	vsub.f32 v11, v20  }
0x7c: {  	vm1 =	vmmov vm1;
	v8 =	vand.u32 $0x7FFFFFFF, v8;
	v15 =	vadd.f32 v12, v4;
	v16 =	vld [tilespmem:s18+$0x2090]  }
0x7d: {  	v7 =	vnsel vm1, $0x0, v7;
	(erf) = vrcp.f32 v1;
	v4 =	vand.u32 $0x7FFFFFFF, v9;
	v9 =	vld [tilespmem:s21+$0x4090]  }
0x7e: {  	vm1 =	vgt.f32 v11, $0.0e+00;
	v8 =	vmul.f32 v8, v21;
	v10 =	vld [tilespmem:s18+$0x2080];
	v11 =	vmul.f32 v13, v2  }
0x7f: {  	vm0 =	vmmov vm0;
	v7 =	vadd.f32 v7, v5;
	v17 =	vld [tilespmem:s21+$0x80];
	v4 =	vmul.f32 v4, v19  }
0x80: {  	s19 =	simm.s32 $0x40;
	s20 =	simm.s32 $0x80;
	v5 =	vsel vm2, $0x3F800000, v0;
	v8 =	vnsel vm0, $0x0, v8;
	v13 =	vld [tilespmem:s21+$0x4080];
	(erf) = vrcp.f32 v11  }
0x81: {  	s31 =	sand.u32 $0x60, s19;
	s22 =	sand.u32 $0x1F00, s20;
	v6 =	vadd.f32 v5, v6;
	v2 =	vadd.f32 v8, v7;
	v4 =	vnsel vm1, $0x0, v4  }
0x82: {  	v8 =	vld [tilespmem:s21+$0x2080];
	s18 =	sor.u32 s31, s22;
	v5 =	vadd.f32 v4, v3;
	v3 =	vsel vm1, $0x3F800000, v0;
	v4 =	vmul.f32 v9, v14  }
0x83: {  	v12 =	vld [tilespmem:s18+$0x4090];
	v3 =	vadd.f32 v3, v6;
	v6 =	vsub.f32 v11, v10  }
0x84: {  	vm0 =	vgt.f32 v11, $0.0e+00;
	v10 =	vld [tilespmem:s18+$0x90];
	v14 =	vsub.f32 v1, v16;
	(erf) = vrcp.f32 v4  }
0x85: {  	v13 =	vmul.f32 v13, v17;
	v11 =	vld [tilespmem:s18+$0x80];
	v7 =	vand.u32 $0x7FFFFFFF, v6;
	v6 =	vsel vm0, $0x3F800000, v0  }
0x86: {  	v9 =	vld [tilespmem:s21+$0x2090];
	v14 =	vand.u32 $0x7FFFFFFF, v14;
	v6 =	vadd.f32 v6, v15;
	v15 =	vpop (erf)  }
.LBB2_16:
0x87: {  	s19 =	sadd.s32 $0x20, s19;
	v16 =	vld [tilespmem:s18+$0x4080];
	s20 =	sadd.s32 $0x40, s20;
	v17 =	vsub.f32 v13, v8;
	(erf) = vrcp.f32 v13;
	v15 =	vmul.f32 v14, v15  }
0x88: {  	vm1 =	vgt.f32 v1, $0.0e+00;
	v1 =	vmovc v4;
	vm2 =	vmmov vm0;
	vm0 =	vgt.f32 v13, $0.0e+00;
	s21 =	sand.u32 $0x60, s19;
	s22 =	sand.u32 $0x1F00, s20;
	p0 =	slt.u32 s19, $0xFE0;
	v8 =	vld [tilespmem:s18+$0x2080]  }
.Ltmp7:
0x89: {  	s21 =	sor.u32 s21, s22;
	v4 =	vmul.f32 v12, v10;
	v12 =	vand.u32 $0x7FFFFFFF, v17;
	v13 =	vnsel vm1, $0x0, v15;
	v14 =	vpop (erf);
	(pc) =	sbr.rel @p0 .LBB2_16-.Ltmp7, $4  }
0x8a: {  	v15 =	vsel vm0, $0x3F800000, v0;
	v10 =	vld [tilespmem:s21+$0x90];
	v14 =	vmul.f32 v7, v14;
	v5 =	vadd.f32 v13, v5;
	v7 =	vmovc v12  }
0x8b: {  	v18 =	vsel vm1, $0x3F800000, v0;
	v12 =	vld [tilespmem:s21+$0x4090];
	(erf) = vrcp.f32 v4;
	v17 =	vsub.f32 v1, v9  }
0x8c: {  	v6 =	vadd.f32 v15, v6;
	v13 =	vmul.f32 v16, v11;
	v11 =	vld [tilespmem:s21+$0x80];
	v16 =	vnsel vm2, $0x0, v14  }
0x8d: {  	v3 =	vadd.f32 v18, v3;
	v9 =	vld [tilespmem:s18+$0x2090];
	v14 =	vand.u32 $0x7FFFFFFF, v17;
	v15 =	vpop (erf);
	v2 =	vadd.f32 v16, v2;
	s18 =	smov.u32 s21  }
0x8e: {  	v16 =	vld [tilespmem:s18+$0x4080];
	_ =	sdelay $0x3  }
0x8f: {  	v10 =	vmul.f32 v12, v10  }
0x90: {  	(erf) = vrcp.f32 v13;
	v11 =	vmul.f32 v16, v11  }
0x91: {  	v8 =	vsub.f32 v13, v8;
	(erf) = vrcp.f32 v10  }
0x92: {  	v45 =	vmul.f32 v14, v15;
	vm1 =	vgt.f32 v13, $0.0e+00;
	v47 =	vpop (erf);
	(erf) = vrcp.f32 v11  }
0x93: {  	v46 =	vld [tilespmem:s18+$0x2080];
	vm2 =	vgt.f32 v1, $0.0e+00;
	vm0 =	vmmov vm0;
	vm14 =	vgt.f32 v4, $0.0e+00  }
0x94: {  	v51 =	vld [tilespmem:s18+$0x2090];
	v50 =	vsel vm1, $0x3F800000, v0;
	v53 =	vsel vm2, $0x3F800000, v0;
	vm1 =	vmmov vm1  }
0x95: {  	v59 =	vsel vm14, $0x3F800000, v0;
	v48 =	vand.u32 $0x7FFFFFFF, v8;
	v1 =	vmul.f32 v7, v47  }
0x96: {  	v49 =	vnsel vm2, $0x0, v45;
	v6 =	vadd.f32 v50, v6;
	v52 =	vsub.f32 v4, v9  }
0x97: {  	v3 =	vadd.f32 v53, v3;
	v5 =	vadd.f32 v49, v5;
	v1 =	vnsel vm0, $0x0, v1  }
0x98: {  	vm15 =	vgt.f32 v10, $0.0e+00;
	v1 =	vadd.f32 v1, v2;
	v2 =	vpop (erf);
	v8 =	vand.u32 $0x7FFFFFFF, v52  }
0x99: {  	v57 =	vsub.f32 v10, v51;
	v54 =	vsub.f32 v11, v46;
	v2 =	vmul.f32 v8, v2;
	v56 =	vpop (erf)  }
0x9a: {  	v3 =	vadd.f32 v59, v3;
	vm13 =	vgt.f32 v11, $0.0e+00;
	v7 =	vmul.f32 v48, v56;
	v58 =	vpop (erf)  }
0x9b: {  	v9 =	vand.u32 $0x7FFFFFFF, v57;
	v55 =	vand.u32 $0x7FFFFFFF, v54;
	v2 =	vnsel vm14, $0x0, v2;
	v60 =	vpop (erf)  }
0x9c: {  	v7 =	vnsel vm1, $0x0, v7;
	v8 =	vmul.f32 v9, v58;
	v4 =	vmul.f32 v55, v60  }
0x9d: {  	vm0 =	vmmov vm13;
	v2 =	vadd.f32 v2, v5;
	v1 =	vadd.f32 v7, v1  }
0x9e: {  	v62 =	vsel vm15, $0x3F800000, v0;
	v61 =	vnsel vm15, $0x0, v8;
	v4 =	vnsel vm0, $0x0, v4  }
0x9f: {  	v11 =	vsel vm13, $0x3F800000, v0;
	v2 =	vadd.f32 v61, v2;
	v1 =	vadd.f32 v4, v1  }
0xa0: {  	v3 =	vadd.f32 v62, v3;
	v63 =	vadd.f32 v11, v6  }
0xa1: {  	v1 =	vadd.f32 v2, v1  }
0xa2: {  	v2 =	vadd.f32 v3, v63  }
0xa3: {  	[tilespmem:$0x6000] =	vst v1  }
0xa4: {  	[tilespmem:$0x6080] =	vst v2  }
0xa5: {  	[hbm4b:s9+s2] =	stream.linear.scatter [tilespmem:s14], [sflag:$0x3], $0x10, $0x38;
	[tilespmem:$0x6100] =	vst v63  }
0xa6: {  	s17 =	sadd.s32 $0x1, s17;
	_ =	swait.ge [sflag:s15], $0x10  }
0xa7: {  	p0 =	sne.s32 s17, s11;
	[sflag:s15] =	ssyncset.done $0x0  }
.Ltmp8:
0xa8: {  	[sflag:s15] =	ssyncadd.s32 $0xFFFFFFF0;
	(pc) =	sbr.rel @p0 .LBB2_1-.Ltmp8, $4  }
0xa9: {  	[hbm4b:s10+s2] =	stream.linear.scatter [tilespmem:s16], [sflag:$0x3], $0x10, $0x38;
	[tilespmem:$0x6100] =	vst v63  }
0xaa: {  	_ =	swait.ge [sflag:s15], $0x10  }
0xab: {  	[sflag:s15] =	ssyncset.done $0x0  }
0xac: {  	[sflag:s15] =	ssyncadd.s32 $0xFFFFFFF0  }
0xad: {  	_ =	sfence.sel $0x180000  }
0xae: {  	[bflag:$0x0] =	sbarrier.arrive $0xFFFF  }
0xaf: {  	p0 =	sne.s32 s1, $0x0;
	_ =	strace $0x90000047  }
0xb0: {  	s0 =	sadd.s32 @!p0 $0x100000, s0;
	[bflag:$0x2] =	sbarrier.arrive $0xFFFF  }
0xb1: {  	[sflag:s0] =	ssyncadd.tile.s32 @!p0 $0x1;
	_ =	shalt  }
.Lfunc_end2:
_tile_overlayer_lowered:
.L_overlay_start_2:
0xb2: {  	(tag) =	ssettag $0x2  }
0xb3: {  	s0 =	rddreg [dreg:$0x0];
	s2 =	stileid.u32  }
0xb4: {  	s1 =	rddreg [dreg:$0x1];
	p0 =	sne.s32 s2, $0x0  }
0xb5: {  	s3 =	rddreg [dreg:$0x2];
	[bflag:$0x3] =	sbarrier.arrive $0xFFFF;
	s2 =	simm.s32 @!p0 $0x1C03  }
0xb6: {  	[timem:s3], [sflag:s2] =	dma.local @!p0 [hbm:s0], s1  }
0xb7: {  	s0 =	simm.s32 @!p0 $0x3  }
0xb8: {  	_ =	swait.ge @!p0 [sflag:s0], s1  }
0xb9: {  	s1 =	ssub.s32 @!p0 $0x0, s1;
	[sflag:s0] =	ssyncset.done @!p0 $0x0  }
0xba: {  	[sflag:s0] =	ssyncadd.s32 @!p0 s1  }
0xbb: {  	[bflag:$0x3] =	sbarrier.arrive $0xFFFF  }
0xbc: {  	_ =	shalt  }

</sc_bundles>
